<compile_context>
chip_gen: v7x
topology: tpu7x:2x2x1
jax: 0.10.2.dev20260603
libtpu: 0.0.44.dev20260713+nightly
codegen_flags: <defaults>
</compile_context>

<pallas_src>
import functools

import jax
import jax.numpy as jnp
from jax import lax
from jax.experimental import pallas as pl
from jax.experimental.pallas import tpu as pltpu
from jax.experimental.pallas import tpu_sc as plsc

N_NODES = 10000
N_EDGES = 320000
D_FEAT = 128
D_OUT = 128

NC = 2
NS = 16
NW = NC * NS
ROW = 100
K = 100
CPAD = 10240
FIRE = 25

_mesh = plsc.VectorSubcoreMesh(core_axis_name="c", subcore_axis_name="s",
                               num_cores=NC)


EPW = K * ROW


@functools.partial(
    pl.kernel,
    out_type=jax.ShapeDtypeStruct((NC, CPAD), jnp.float32),
    mesh=_mesh,
    scratch_types=[
        pltpu.VMEM((K, ROW), jnp.int32),
        pltpu.VMEM((112,), jnp.float32),
        pltpu.VMEM((CPAD // NS,), jnp.float32),
        pltpu.VMEM_SHARED((CPAD,), jnp.float32),
        pltpu.SemaphoreType.DMA,
    ],
)
def _hist_kernel(idx_hbm, out_hbm, idx_v, ones_v, zero_v, counts_sh, sem):
    cid = lax.axis_index("c")
    sid = lax.axis_index("s")
    wid = sid * NC + cid

    d_idx = pltpu.async_copy(idx_hbm.at[0, wid], idx_v, sem)
    for i in range(112 // 16):
        ones_v[pl.ds(i * 16, 16)] = jnp.ones((16,), jnp.float32)
    stripe = CPAD // NS
    for i in range(stripe // 16):
        zero_v[pl.ds(i * 16, 16)] = jnp.zeros((16,), jnp.float32)
    pltpu.sync_copy(zero_v, counts_sh.at[pl.ds(sid * stripe, stripe)])

    plsc.subcore_barrier()
    d_idx.wait()

    ones_row = ones_v.at[pl.ds(0, ROW)]

    def _chunk(i, carry):
        descs = []
        for b in range(FIRE):
            descs.append(pltpu.async_copy(
                ones_row, counts_sh.at[idx_v.at[i * FIRE + b]],
                sem, add=True))
        for d in descs:
            d.wait()
        return carry

    lax.fori_loop(0, K // FIRE, _chunk, 0)

    plsc.subcore_barrier()

    pltpu.sync_copy(counts_sh.at[pl.ds(sid * stripe, stripe)],
                    out_hbm.at[cid, pl.ds(sid * stripe, stripe)])


BLK = 2048


def _scale_matmul_body(c_ref, x_ref, w_ref, b_ref, o_ref):
    y = lax.dot_general(
        x_ref[...], w_ref[...],
        (((1,), (1,)), ((), ())),
        preferred_element_type=jnp.float32,
    ) + b_ref[...]
    c_col = lax.dot_general(
        c_ref[...], jnp.ones((NC, 1), jnp.float32),
        (((0,), (0,)), ((), ())),
        preferred_element_type=jnp.float32,
    )
    o_ref[...] = y * c_col


def _scale_matmul(counts, x, w, b):
    return pl.pallas_call(
        _scale_matmul_body,
        grid=(pl.cdiv(N_NODES, BLK),),
        in_specs=[
            pl.BlockSpec((NC, BLK), lambda i: (0, i)),
            pl.BlockSpec((BLK, D_FEAT), lambda i: (i, 0)),
            pl.BlockSpec((D_OUT, D_FEAT), lambda i: (0, 0)),
            pl.BlockSpec((1, D_OUT), lambda i: (0, 0)),
        ],
        out_specs=pl.BlockSpec((BLK, D_OUT), lambda i: (i, 0)),
        out_shape=jax.ShapeDtypeStruct((N_NODES, D_OUT), jnp.float32),
    )(counts, x, w, b)


def kernel(node_features, edge_node_indices, edge_features,
           W_fn, b_fn, W_fe, b_fe, W_fa, b_fa):
    idx = edge_node_indices.astype(jnp.int32).reshape(2, NW, K, ROW)
    counts = _hist_kernel(idx)
    return _scale_matmul(counts, node_features,
                         W_fn, b_fn.reshape(1, D_OUT))

# --- scband reference (transcript-rebuilt; emitter-appended) ---
"""Pipeline reference for scband-simple-gi-message-layer-28003186770214 (READ-ONLY COPY).

The authoritative reference and input builder live on the scoring server;
editing this copy changes nothing except your own understanding.
"""

import jax, jax.numpy as jnp
import numpy as np

N_NODES = 10000
N_EDGES = 320000
D_FEAT = 128
D_EDGE = 16
D_OUT = 128
ATT_IN = 2 * D_OUT + D_EDGE


def setup_inputs(seed: int = 0) -> dict:
    key = jax.random.key(seed)
    ks = jax.random.split(key, 9)
    node_features = jax.random.normal(ks[0], (N_NODES, D_FEAT), dtype=jnp.float32)
    edge_node_indices = jax.random.randint(ks[1], (2, N_EDGES), 0, N_NODES, dtype=jnp.int64)
    edge_features = jax.random.normal(ks[2], (N_EDGES, D_EDGE), dtype=jnp.float32)
    W_fn = jax.random.normal(ks[3], (D_OUT, D_FEAT), dtype=jnp.float32) / np.sqrt(D_FEAT)
    b_fn = jax.random.normal(ks[4], (D_OUT,), dtype=jnp.float32) * 0.01
    W_fe = jax.random.normal(ks[5], (D_EDGE, D_EDGE), dtype=jnp.float32) / np.sqrt(D_EDGE)
    b_fe = jax.random.normal(ks[6], (D_EDGE,), dtype=jnp.float32) * 0.01
    W_fa = jax.random.normal(ks[7], (1, ATT_IN), dtype=jnp.float32) / np.sqrt(ATT_IN)
    b_fa = jax.random.normal(ks[8], (1,), dtype=jnp.float32) * 0.01
    return {
        "node_features": node_features,
        "edge_node_indices": edge_node_indices,
        "edge_features": edge_features,
        "W_fn": W_fn, "b_fn": b_fn,
        "W_fe": W_fe, "b_fe": b_fe,
        "W_fa": W_fa, "b_fa": b_fa,
    }


def reference(node_features, edge_node_indices, edge_features, W_fn, b_fn, W_fe, b_fe, W_fa, b_fa):
    node0_indices = edge_node_indices[0]
    node1_indices = edge_node_indices[1]
    count_nodes = node_features.shape[0]
    # gather node features per edge endpoint, then linear (SparseCore gather)
    node0_output = jnp.take(node_features, node0_indices, axis=0) @ W_fn.T + b_fn
    node1_output = jnp.take(node_features, node1_indices, axis=0) @ W_fn.T + b_fn
    edge_output = edge_features @ W_fe.T + b_fe
    attention_input = jnp.concatenate([node0_output, node1_output, edge_output], axis=1)
    attention_output = attention_input @ W_fa.T + b_fa
    # softmax over dim=1 of a [E, 1] tensor (faithful to original: yields ones)
    attention = jax.nn.softmax(jax.nn.leaky_relu(attention_output, negative_slope=0.01), axis=1)
    attenuated_node_output = attention * node0_output
    # scatter_sum over source indices (SparseCore scatter-add)
    out = jnp.zeros((count_nodes, D_OUT), dtype=node_features.dtype)
    z = out.at[node0_indices].add(attenuated_node_output)
    return z

if __name__ == "__main__":
    import jax
    _d = setup_inputs()
    print(jax.jit(kernel)(*tuple(_d.values())))

</pallas_src>

<mosaic_0001>
#map = affine_map<(d0, d1) -> (0, 0, 0, 0)>
#map1 = affine_map<(d0, d1) -> (0, 0)>
module attributes {stable_mosaic.version = 14 : i64} {
  func.func @_hist_kernel(%arg0: i32, %arg1: i32, %arg2: memref<2x32x100x100xi32, #tpu.memory_space<hbm>>, %arg3: memref<2x10240xf32, #tpu.memory_space<hbm>>, %arg4: memref<100x100xi32, #tpu.memory_space<vmem>>, %arg5: memref<112xf32, #tpu.memory_space<vmem>>, %arg6: memref<640xf32, #tpu.memory_space<vmem>>, %arg7: memref<10240xf32, #tpu.memory_space<vmem_shared>>, %arg8: memref<!tpu.dma_semaphore, #tpu.memory_space<semaphore_mem>>) attributes {dimension_semantics = [#tpu.dimension_semantics<core_parallel>, #tpu.dimension_semantics<subcore_parallel>], iteration_bounds = array<i64: 2, 16>, scalar_prefetch = 0 : i64, scratch_operands = 5 : i64, tpu.core_type = #tpu.core_type<sc_vector_subcore>, window_params = [{transform_indices = #map}, {transform_indices = #map1}]} {
    %mul3A = arith.constant 2 : i32
    %mul3A_0 = arith.muli %arg1, %mul3A : i32
    %add3A = arith.addi %mul3A_0, %arg0 : i32
    %dma_start3A = arith.constant 0 : i32
    %dma_start3A_1 = arith.constant 0 : i32
    %dma_start3A_2 = arith.constant 0 : i32
    %dma_start3A_3 = tpu.memref_slice %arg2[%dma_start3A, %add3A, %dma_start3A_1, %dma_start3A_2] : memref<2x32x100x100xi32, #tpu.memory_space<hbm>> -> memref<1x1x100x100xi32, #tpu.memory_space<hbm>>
    %dma_start3A_4 = tpu.memref_squeeze %dma_start3A_3 : memref<1x1x100x100xi32, #tpu.memory_space<hbm>> -> memref<100x100xi32, #tpu.memory_space<hbm>>
    %dma_start3A_5 = arith.constant 0 : i32
    %dma_start3A_6 = arith.constant 0 : i32
    %dma_start3A_7 = tpu.memref_slice %arg2[%dma_start3A, %add3A, %dma_start3A_5, %dma_start3A_6] : memref<2x32x100x100xi32, #tpu.memory_space<hbm>> -> memref<1x1x100x100xi32, #tpu.memory_space<hbm>>
    %dma_start3A_8 = tpu.memref_squeeze %dma_start3A_7 : memref<1x1x100x100xi32, #tpu.memory_space<hbm>> -> memref<100x100xi32, #tpu.memory_space<hbm>>
    tpu.enqueue_dma source(%dma_start3A_8 : memref<100x100xi32, #tpu.memory_space<hbm>>) target(%arg4 : memref<100x100xi32, #tpu.memory_space<vmem>>) target_semaphore(%arg8 : memref<!tpu.dma_semaphore, #tpu.memory_space<semaphore_mem>>)
    %broadcast_in_dim3A = arith.constant 1.000000e+00 : f32
    %broadcast_in_dim3A_9 = vector.broadcast %broadcast_in_dim3A : f32 to vector<16xf32>
    %swap3A = arith.constant 0 : index
    %swap3A_10 = tpu.vector_load %arg5[%swap3A] {strides = array<i32>} : memref<112xf32, #tpu.memory_space<vmem>>, vector<16xf32>,
    %swap3A_11 = vector.shape_cast %swap3A_10 : vector<16xf32> to vector<16xf32>
    %swap3A_12 = vector.shape_cast %broadcast_in_dim3A_9 : vector<16xf32> to vector<16xf32>
    tpu.vector_store %arg5[%swap3A], %swap3A_12 {strides = array<i32>} : memref<112xf32, #tpu.memory_space<vmem>>, vector<16xf32>,
    %broadcast_in_dim3A_13 = arith.constant 1.000000e+00 : f32
    %broadcast_in_dim3A_14 = vector.broadcast %broadcast_in_dim3A_13 : f32 to vector<16xf32>
    %swap3A_15 = arith.constant 16 : index
    %swap3A_16 = tpu.vector_load %arg5[%swap3A_15] {strides = array<i32>} : memref<112xf32, #tpu.memory_space<vmem>>, vector<16xf32>,
    %swap3A_17 = vector.shape_cast %swap3A_16 : vector<16xf32> to vector<16xf32>
    %swap3A_18 = vector.shape_cast %broadcast_in_dim3A_14 : vector<16xf32> to vector<16xf32>
    tpu.vector_store %arg5[%swap3A_15], %swap3A_18 {strides = array<i32>} : memref<112xf32, #tpu.memory_space<vmem>>, vector<16xf32>,
    %broadcast_in_dim3A_19 = arith.constant 1.000000e+00 : f32
    %broadcast_in_dim3A_20 = vector.broadcast %broadcast_in_dim3A_19 : f32 to vector<16xf32>
    %swap3A_21 = arith.constant 32 : index
    %swap3A_22 = tpu.vector_load %arg5[%swap3A_21] {strides = array<i32>} : memref<112xf32, #tpu.memory_space<vmem>>, vector<16xf32>,
    %swap3A_23 = vector.shape_cast %swap3A_22 : vector<16xf32> to vector<16xf32>
    %swap3A_24 = vector.shape_cast %broadcast_in_dim3A_20 : vector<16xf32> to vector<16xf32>
    tpu.vector_store %arg5[%swap3A_21], %swap3A_24 {strides = array<i32>} : memref<112xf32, #tpu.memory_space<vmem>>, vector<16xf32>,
    %broadcast_in_dim3A_25 = arith.constant 1.000000e+00 : f32
    %broadcast_in_dim3A_26 = vector.broadcast %broadcast_in_dim3A_25 : f32 to vector<16xf32>
    %swap3A_27 = arith.constant 48 : index
    %swap3A_28 = tpu.vector_load %arg5[%swap3A_27] {strides = array<i32>} : memref<112xf32, #tpu.memory_space<vmem>>, vector<16xf32>,
    %swap3A_29 = vector.shape_cast %swap3A_28 : vector<16xf32> to vector<16xf32>
    %swap3A_30 = vector.shape_cast %broadcast_in_dim3A_26 : vector<16xf32> to vector<16xf32>
    tpu.vector_store %arg5[%swap3A_27], %swap3A_30 {strides = array<i32>} : memref<112xf32, #tpu.memory_space<vmem>>, vector<16xf32>,
    %broadcast_in_dim3A_31 = arith.constant 1.000000e+00 : f32
    %broadcast_in_dim3A_32 = vector.broadcast %broadcast_in_dim3A_31 : f32 to vector<16xf32>
    %swap3A_33 = arith.constant 64 : index
    %swap3A_34 = tpu.vector_load %arg5[%swap3A_33] {strides = array<i32>} : memref<112xf32, #tpu.memory_space<vmem>>, vector<16xf32>,
    %swap3A_35 = vector.shape_cast %swap3A_34 : vector<16xf32> to vector<16xf32>
    %swap3A_36 = vector.shape_cast %broadcast_in_dim3A_32 : vector<16xf32> to vector<16xf32>
    tpu.vector_store %arg5[%swap3A_33], %swap3A_36 {strides = array<i32>} : memref<112xf32, #tpu.memory_space<vmem>>, vector<16xf32>,
    %broadcast_in_dim3A_37 = arith.constant 1.000000e+00 : f32
    %broadcast_in_dim3A_38 = vector.broadcast %broadcast_in_dim3A_37 : f32 to vector<16xf32>
    %swap3A_39 = arith.constant 80 : index
    %swap3A_40 = tpu.vector_load %arg5[%swap3A_39] {strides = array<i32>} : memref<112xf32, #tpu.memory_space<vmem>>, vector<16xf32>,
    %swap3A_41 = vector.shape_cast %swap3A_40 : vector<16xf32> to vector<16xf32>
    %swap3A_42 = vector.shape_cast %broadcast_in_dim3A_38 : vector<16xf32> to vector<16xf32>
    tpu.vector_store %arg5[%swap3A_39], %swap3A_42 {strides = array<i32>} : memref<112xf32, #tpu.memory_space<vmem>>, vector<16xf32>,
    %broadcast_in_dim3A_43 = arith.constant 1.000000e+00 : f32
    %broadcast_in_dim3A_44 = vector.broadcast %broadcast_in_dim3A_43 : f32 to vector<16xf32>
    %swap3A_45 = arith.constant 96 : index
    %swap3A_46 = tpu.vector_load %arg5[%swap3A_45] {strides = array<i32>} : memref<112xf32, #tpu.memory_space<vmem>>, vector<16xf32>,
    %swap3A_47 = vector.shape_cast %swap3A_46 : vector<16xf32> to vector<16xf32>
    %swap3A_48 = vector.shape_cast %broadcast_in_dim3A_44 : vector<16xf32> to vector<16xf32>
    tpu.vector_store %arg5[%swap3A_45], %swap3A_48 {strides = array<i32>} : memref<112xf32, #tpu.memory_space<vmem>>, vector<16xf32>,
    %broadcast_in_dim3A_49 = arith.constant 0.000000e+00 : f32
    %broadcast_in_dim3A_50 = vector.broadcast %broadcast_in_dim3A_49 : f32 to vector<16xf32>
    %swap3A_51 = arith.constant 0 : index
    %swap3A_52 = tpu.vector_load %arg6[%swap3A_51] {strides = array<i32>} : memref<640xf32, #tpu.memory_space<vmem>>, vector<16xf32>,
    %swap3A_53 = vector.shape_cast %swap3A_52 : vector<16xf32> to vector<16xf32>
    %swap3A_54 = vector.shape_cast %broadcast_in_dim3A_50 : vector<16xf32> to vector<16xf32>
    tpu.vector_store %arg6[%swap3A_51], %swap3A_54 {strides = array<i32>} : memref<640xf32, #tpu.memory_space<vmem>>, vector<16xf32>,
    %broadcast_in_dim3A_55 = arith.constant 0.000000e+00 : f32
    %broadcast_in_dim3A_56 = vector.broadcast %broadcast_in_dim3A_55 : f32 to vector<16xf32>
    %swap3A_57 = arith.constant 16 : index
    %swap3A_58 = tpu.vector_load %arg6[%swap3A_57] {strides = array<i32>} : memref<640xf32, #tpu.memory_space<vmem>>, vector<16xf32>,
    %swap3A_59 = vector.shape_cast %swap3A_58 : vector<16xf32> to vector<16xf32>
    %swap3A_60 = vector.shape_cast %broadcast_in_dim3A_56 : vector<16xf32> to vector<16xf32>
    tpu.vector_store %arg6[%swap3A_57], %swap3A_60 {strides = array<i32>} : memref<640xf32, #tpu.memory_space<vmem>>, vector<16xf32>,
    %broadcast_in_dim3A_61 = arith.constant 0.000000e+00 : f32
    %broadcast_in_dim3A_62 = vector.broadcast %broadcast_in_dim3A_61 : f32 to vector<16xf32>
    %swap3A_63 = arith.constant 32 : index
    %swap3A_64 = tpu.vector_load %arg6[%swap3A_63] {strides = array<i32>} : memref<640xf32, #tpu.memory_space<vmem>>, vector<16xf32>,
    %swap3A_65 = vector.shape_cast %swap3A_64 : vector<16xf32> to vector<16xf32>
    %swap3A_66 = vector.shape_cast %broadcast_in_dim3A_62 : vector<16xf32> to vector<16xf32>
    tpu.vector_store %arg6[%swap3A_63], %swap3A_66 {strides = array<i32>} : memref<640xf32, #tpu.memory_space<vmem>>, vector<16xf32>,
    %broadcast_in_dim3A_67 = arith.constant 0.000000e+00 : f32
    %broadcast_in_dim3A_68 = vector.broadcast %broadcast_in_dim3A_67 : f32 to vector<16xf32>
    %swap3A_69 = arith.constant 48 : index
    %swap3A_70 = tpu.vector_load %arg6[%swap3A_69] {strides = array<i32>} : memref<640xf32, #tpu.memory_space<vmem>>, vector<16xf32>,
    %swap3A_71 = vector.shape_cast %swap3A_70 : vector<16xf32> to vector<16xf32>
    %swap3A_72 = vector.shape_cast %broadcast_in_dim3A_68 : vector<16xf32> to vector<16xf32>
    tpu.vector_store %arg6[%swap3A_69], %swap3A_72 {strides = array<i32>} : memref<640xf32, #tpu.memory_space<vmem>>, vector<16xf32>,
    %broadcast_in_dim3A_73 = arith.constant 0.000000e+00 : f32
    %broadcast_in_dim3A_74 = vector.broadcast %broadcast_in_dim3A_73 : f32 to vector<16xf32>
    %swap3A_75 = arith.constant 64 : index
    %swap3A_76 = tpu.vector_load %arg6[%swap3A_75] {strides = array<i32>} : memref<640xf32, #tpu.memory_space<vmem>>, vector<16xf32>,
    %swap3A_77 = vector.shape_cast %swap3A_76 : vector<16xf32> to vector<16xf32>
    %swap3A_78 = vector.shape_cast %broadcast_in_dim3A_74 : vector<16xf32> to vector<16xf32>
    tpu.vector_store %arg6[%swap3A_75], %swap3A_78 {strides = array<i32>} : memref<640xf32, #tpu.memory_space<vmem>>, vector<16xf32>,
    %broadcast_in_dim3A_79 = arith.constant 0.000000e+00 : f32
    %broadcast_in_dim3A_80 = vector.broadcast %broadcast_in_dim3A_79 : f32 to vector<16xf32>
    %swap3A_81 = arith.constant 80 : index
    %swap3A_82 = tpu.vector_load %arg6[%swap3A_81] {strides = array<i32>} : memref<640xf32, #tpu.memory_space<vmem>>, vector<16xf32>,
    %swap3A_83 = vector.shape_cast %swap3A_82 : vector<16xf32> to vector<16xf32>
    %swap3A_84 = vector.shape_cast %broadcast_in_dim3A_80 : vector<16xf32> to vector<16xf32>
    tpu.vector_store %arg6[%swap3A_81], %swap3A_84 {strides = array<i32>} : memref<640xf32, #tpu.memory_space<vmem>>, vector<16xf32>,
    %broadcast_in_dim3A_85 = arith.constant 0.000000e+00 : f32
    %broadcast_in_dim3A_86 = vector.broadcast %broadcast_in_dim3A_85 : f32 to vector<16xf32>
    %swap3A_87 = arith.constant 96 : index
    %swap3A_88 = tpu.vector_load %arg6[%swap3A_87] {strides = array<i32>} : memref<640xf32, #tpu.memory_space<vmem>>, vector<16xf32>,
    %swap3A_89 = vector.shape_cast %swap3A_88 : vector<16xf32> to vector<16xf32>
    %swap3A_90 = vector.shape_cast %broadcast_in_dim3A_86 : vector<16xf32> to vector<16xf32>
    tpu.vector_store %arg6[%swap3A_87], %swap3A_90 {strides = array<i32>} : memref<640xf32, #tpu.memory_space<vmem>>, vector<16xf32>,
    %broadcast_in_dim3A_91 = arith.constant 0.000000e+00 : f32
    %broadcast_in_dim3A_92 = vector.broadcast %broadcast_in_dim3A_91 : f32 to vector<16xf32>
    %swap3A_93 = arith.constant 112 : index
    %swap3A_94 = tpu.vector_load %arg6[%swap3A_93] {strides = array<i32>} : memref<640xf32, #tpu.memory_space<vmem>>, vector<16xf32>,
    %swap3A_95 = vector.shape_cast %swap3A_94 : vector<16xf32> to vector<16xf32>
    %swap3A_96 = vector.shape_cast %broadcast_in_dim3A_92 : vector<16xf32> to vector<16xf32>
    tpu.vector_store %arg6[%swap3A_93], %swap3A_96 {strides = array<i32>} : memref<640xf32, #tpu.memory_space<vmem>>, vector<16xf32>,
    %broadcast_in_dim3A_97 = arith.constant 0.000000e+00 : f32
    %broadcast_in_dim3A_98 = vector.broadcast %broadcast_in_dim3A_97 : f32 to vector<16xf32>
    %swap3A_99 = arith.constant 128 : index
    %swap3A_100 = tpu.vector_load %arg6[%swap3A_99] {strides = array<i32>} : memref<640xf32, #tpu.memory_space<vmem>>, vector<16xf32>,
    %swap3A_101 = vector.shape_cast %swap3A_100 : vector<16xf32> to vector<16xf32>
    %swap3A_102 = vector.shape_cast %broadcast_in_dim3A_98 : vector<16xf32> to vector<16xf32>
    tpu.vector_store %arg6[%swap3A_99], %swap3A_102 {strides = array<i32>} : memref<640xf32, #tpu.memory_space<vmem>>, vector<16xf32>,
    %broadcast_in_dim3A_103 = arith.constant 0.000000e+00 : f32
    %broadcast_in_dim3A_104 = vector.broadcast %broadcast_in_dim3A_103 : f32 to vector<16xf32>
    %swap3A_105 = arith.constant 144 : index
    %swap3A_106 = tpu.vector_load %arg6[%swap3A_105] {strides = array<i32>} : memref<640xf32, #tpu.memory_space<vmem>>, vector<16xf32>,
    %swap3A_107 = vector.shape_cast %swap3A_106 : vector<16xf32> to vector<16xf32>
    %swap3A_108 = vector.shape_cast %broadcast_in_dim3A_104 : vector<16xf32> to vector<16xf32>
    tpu.vector_store %arg6[%swap3A_105], %swap3A_108 {strides = array<i32>} : memref<640xf32, #tpu.memory_space<vmem>>, vector<16xf32>,
    %broadcast_in_dim3A_109 = arith.constant 0.000000e+00 : f32
    %broadcast_in_dim3A_110 = vector.broadcast %broadcast_in_dim3A_109 : f32 to vector<16xf32>
    %swap3A_111 = arith.constant 160 : index
    %swap3A_112 = tpu.vector_load %arg6[%swap3A_111] {strides = array<i32>} : memref<640xf32, #tpu.memory_space<vmem>>, vector<16xf32>,
    %swap3A_113 = vector.shape_cast %swap3A_112 : vector<16xf32> to vector<16xf32>
    %swap3A_114 = vector.shape_cast %broadcast_in_dim3A_110 : vector<16xf32> to vector<16xf32>
    tpu.vector_store %arg6[%swap3A_111], %swap3A_114 {strides = array<i32>} : memref<640xf32, #tpu.memory_space<vmem>>, vector<16xf32>,
    %broadcast_in_dim3A_115 = arith.constant 0.000000e+00 : f32
    %broadcast_in_dim3A_116 = vector.broadcast %broadcast_in_dim3A_115 : f32 to vector<16xf32>
    %swap3A_117 = arith.constant 176 : index
    %swap3A_118 = tpu.vector_load %arg6[%swap3A_117] {strides = array<i32>} : memref<640xf32, #tpu.memory_space<vmem>>, vector<16xf32>,
    %swap3A_119 = vector.shape_cast %swap3A_118 : vector<16xf32> to vector<16xf32>
    %swap3A_120 = vector.shape_cast %broadcast_in_dim3A_116 : vector<16xf32> to vector<16xf32>
    tpu.vector_store %arg6[%swap3A_117], %swap3A_120 {strides = array<i32>} : memref<640xf32, #tpu.memory_space<vmem>>, vector<16xf32>,
    %broadcast_in_dim3A_121 = arith.constant 0.000000e+00 : f32
    %broadcast_in_dim3A_122 = vector.broadcast %broadcast_in_dim3A_121 : f32 to vector<16xf32>
    %swap3A_123 = arith.constant 192 : index
    %swap3A_124 = tpu.vector_load %arg6[%swap3A_123] {strides = array<i32>} : memref<640xf32, #tpu.memory_space<vmem>>, vector<16xf32>,
    %swap3A_125 = vector.shape_cast %swap3A_124 : vector<16xf32> to vector<16xf32>
    %swap3A_126 = vector.shape_cast %broadcast_in_dim3A_122 : vector<16xf32> to vector<16xf32>
    tpu.vector_store %arg6[%swap3A_123], %swap3A_126 {strides = array<i32>} : memref<640xf32, #tpu.memory_space<vmem>>, vector<16xf32>,
    %broadcast_in_dim3A_127 = arith.constant 0.000000e+00 : f32
    %broadcast_in_dim3A_128 = vector.broadcast %broadcast_in_dim3A_127 : f32 to vector<16xf32>
    %swap3A_129 = arith.constant 208 : index
    %swap3A_130 = tpu.vector_load %arg6[%swap3A_129] {strides = array<i32>} : memref<640xf32, #tpu.memory_space<vmem>>, vector<16xf32>,
    %swap3A_131 = vector.shape_cast %swap3A_130 : vector<16xf32> to vector<16xf32>
    %swap3A_132 = vector.shape_cast %broadcast_in_dim3A_128 : vector<16xf32> to vector<16xf32>
    tpu.vector_store %arg6[%swap3A_129], %swap3A_132 {strides = array<i32>} : memref<640xf32, #tpu.memory_space<vmem>>, vector<16xf32>,
    %broadcast_in_dim3A_133 = arith.constant 0.000000e+00 : f32
    %broadcast_in_dim3A_134 = vector.broadcast %broadcast_in_dim3A_133 : f32 to vector<16xf32>
    %swap3A_135 = arith.constant 224 : index
    %swap3A_136 = tpu.vector_load %arg6[%swap3A_135] {strides = array<i32>} : memref<640xf32, #tpu.memory_space<vmem>>, vector<16xf32>,
    %swap3A_137 = vector.shape_cast %swap3A_136 : vector<16xf32> to vector<16xf32>
    %swap3A_138 = vector.shape_cast %broadcast_in_dim3A_134 : vector<16xf32> to vector<16xf32>
    tpu.vector_store %arg6[%swap3A_135], %swap3A_138 {strides = array<i32>} : memref<640xf32, #tpu.memory_space<vmem>>, vector<16xf32>,
    %broadcast_in_dim3A_139 = arith.constant 0.000000e+00 : f32
    %broadcast_in_dim3A_140 = vector.broadcast %broadcast_in_dim3A_139 : f32 to vector<16xf32>
    %swap3A_141 = arith.constant 240 : index
    %swap3A_142 = tpu.vector_load %arg6[%swap3A_141] {strides = array<i32>} : memref<640xf32, #tpu.memory_space<vmem>>, vector<16xf32>,
    %swap3A_143 = vector.shape_cast %swap3A_142 : vector<16xf32> to vector<16xf32>
    %swap3A_144 = vector.shape_cast %broadcast_in_dim3A_140 : vector<16xf32> to vector<16xf32>
    tpu.vector_store %arg6[%swap3A_141], %swap3A_144 {strides = array<i32>} : memref<640xf32, #tpu.memory_space<vmem>>, vector<16xf32>,
    %broadcast_in_dim3A_145 = arith.constant 0.000000e+00 : f32
    %broadcast_in_dim3A_146 = vector.broadcast %broadcast_in_dim3A_145 : f32 to vector<16xf32>
    %swap3A_147 = arith.constant 256 : index
    %swap3A_148 = tpu.vector_load %arg6[%swap3A_147] {strides = array<i32>} : memref<640xf32, #tpu.memory_space<vmem>>, vector<16xf32>,
    %swap3A_149 = vector.shape_cast %swap3A_148 : vector<16xf32> to vector<16xf32>
    %swap3A_150 = vector.shape_cast %broadcast_in_dim3A_146 : vector<16xf32> to vector<16xf32>
    tpu.vector_store %arg6[%swap3A_147], %swap3A_150 {strides = array<i32>} : memref<640xf32, #tpu.memory_space<vmem>>, vector<16xf32>,
    %broadcast_in_dim3A_151 = arith.constant 0.000000e+00 : f32
    %broadcast_in_dim3A_152 = vector.broadcast %broadcast_in_dim3A_151 : f32 to vector<16xf32>
    %swap3A_153 = arith.constant 272 : index
    %swap3A_154 = tpu.vector_load %arg6[%swap3A_153] {strides = array<i32>} : memref<640xf32, #tpu.memory_space<vmem>>, vector<16xf32>,
    %swap3A_155 = vector.shape_cast %swap3A_154 : vector<16xf32> to vector<16xf32>
    %swap3A_156 = vector.shape_cast %broadcast_in_dim3A_152 : vector<16xf32> to vector<16xf32>
    tpu.vector_store %arg6[%swap3A_153], %swap3A_156 {strides = array<i32>} : memref<640xf32, #tpu.memory_space<vmem>>, vector<16xf32>,
    %broadcast_in_dim3A_157 = arith.constant 0.000000e+00 : f32
    %broadcast_in_dim3A_158 = vector.broadcast %broadcast_in_dim3A_157 : f32 to vector<16xf32>
    %swap3A_159 = arith.constant 288 : index
    %swap3A_160 = tpu.vector_load %arg6[%swap3A_159] {strides = array<i32>} : memref<640xf32, #tpu.memory_space<vmem>>, vector<16xf32>,
    %swap3A_161 = vector.shape_cast %swap3A_160 : vector<16xf32> to vector<16xf32>
    %swap3A_162 = vector.shape_cast %broadcast_in_dim3A_158 : vector<16xf32> to vector<16xf32>
    tpu.vector_store %arg6[%swap3A_159], %swap3A_162 {strides = array<i32>} : memref<640xf32, #tpu.memory_space<vmem>>, vector<16xf32>,
    %broadcast_in_dim3A_163 = arith.constant 0.000000e+00 : f32
    %broadcast_in_dim3A_164 = vector.broadcast %broadcast_in_dim3A_163 : f32 to vector<16xf32>
    %swap3A_165 = arith.constant 304 : index
    %swap3A_166 = tpu.vector_load %arg6[%swap3A_165] {strides = array<i32>} : memref<640xf32, #tpu.memory_space<vmem>>, vector<16xf32>,
    %swap3A_167 = vector.shape_cast %swap3A_166 : vector<16xf32> to vector<16xf32>
    %swap3A_168 = vector.shape_cast %broadcast_in_dim3A_164 : vector<16xf32> to vector<16xf32>
    tpu.vector_store %arg6[%swap3A_165], %swap3A_168 {strides = array<i32>} : memref<640xf32, #tpu.memory_space<vmem>>, vector<16xf32>,
    %broadcast_in_dim3A_169 = arith.constant 0.000000e+00 : f32
    %broadcast_in_dim3A_170 = vector.broadcast %broadcast_in_dim3A_169 : f32 to vector<16xf32>
    %swap3A_171 = arith.constant 320 : index
    %swap3A_172 = tpu.vector_load %arg6[%swap3A_171] {strides = array<i32>} : memref<640xf32, #tpu.memory_space<vmem>>, vector<16xf32>,
    %swap3A_173 = vector.shape_cast %swap3A_172 : vector<16xf32> to vector<16xf32>
    %swap3A_174 = vector.shape_cast %broadcast_in_dim3A_170 : vector<16xf32> to vector<16xf32>
    tpu.vector_store %arg6[%swap3A_171], %swap3A_174 {strides = array<i32>} : memref<640xf32, #tpu.memory_space<vmem>>, vector<16xf32>,
    %broadcast_in_dim3A_175 = arith.constant 0.000000e+00 : f32
    %broadcast_in_dim3A_176 = vector.broadcast %broadcast_in_dim3A_175 : f32 to vector<16xf32>
    %swap3A_177 = arith.constant 336 : index
    %swap3A_178 = tpu.vector_load %arg6[%swap3A_177] {strides = array<i32>} : memref<640xf32, #tpu.memory_space<vmem>>, vector<16xf32>,
    %swap3A_179 = vector.shape_cast %swap3A_178 : vector<16xf32> to vector<16xf32>
    %swap3A_180 = vector.shape_cast %broadcast_in_dim3A_176 : vector<16xf32> to vector<16xf32>
    tpu.vector_store %arg6[%swap3A_177], %swap3A_180 {strides = array<i32>} : memref<640xf32, #tpu.memory_space<vmem>>, vector<16xf32>,
    %broadcast_in_dim3A_181 = arith.constant 0.000000e+00 : f32
    %broadcast_in_dim3A_182 = vector.broadcast %broadcast_in_dim3A_181 : f32 to vector<16xf32>
    %swap3A_183 = arith.constant 352 : index
    %swap3A_184 = tpu.vector_load %arg6[%swap3A_183] {strides = array<i32>} : memref<640xf32, #tpu.memory_space<vmem>>, vector<16xf32>,
    %swap3A_185 = vector.shape_cast %swap3A_184 : vector<16xf32> to vector<16xf32>
    %swap3A_186 = vector.shape_cast %broadcast_in_dim3A_182 : vector<16xf32> to vector<16xf32>
    tpu.vector_store %arg6[%swap3A_183], %swap3A_186 {strides = array<i32>} : memref<640xf32, #tpu.memory_space<vmem>>, vector<16xf32>,
    %broadcast_in_dim3A_187 = arith.constant 0.000000e+00 : f32
    %broadcast_in_dim3A_188 = vector.broadcast %broadcast_in_dim3A_187 : f32 to vector<16xf32>
    %swap3A_189 = arith.constant 368 : index
    %swap3A_190 = tpu.vector_load %arg6[%swap3A_189] {strides = array<i32>} : memref<640xf32, #tpu.memory_space<vmem>>, vector<16xf32>,
    %swap3A_191 = vector.shape_cast %swap3A_190 : vector<16xf32> to vector<16xf32>
    %swap3A_192 = vector.shape_cast %broadcast_in_dim3A_188 : vector<16xf32> to vector<16xf32>
    tpu.vector_store %arg6[%swap3A_189], %swap3A_192 {strides = array<i32>} : memref<640xf32, #tpu.memory_space<vmem>>, vector<16xf32>,
    %broadcast_in_dim3A_193 = arith.constant 0.000000e+00 : f32
    %broadcast_in_dim3A_194 = vector.broadcast %broadcast_in_dim3A_193 : f32 to vector<16xf32>
    %swap3A_195 = arith.constant 384 : index
    %swap3A_196 = tpu.vector_load %arg6[%swap3A_195] {strides = array<i32>} : memref<640xf32, #tpu.memory_space<vmem>>, vector<16xf32>,
    %swap3A_197 = vector.shape_cast %swap3A_196 : vector<16xf32> to vector<16xf32>
    %swap3A_198 = vector.shape_cast %broadcast_in_dim3A_194 : vector<16xf32> to vector<16xf32>
    tpu.vector_store %arg6[%swap3A_195], %swap3A_198 {strides = array<i32>} : memref<640xf32, #tpu.memory_space<vmem>>, vector<16xf32>,
    %broadcast_in_dim3A_199 = arith.constant 0.000000e+00 : f32
    %broadcast_in_dim3A_200 = vector.broadcast %broadcast_in_dim3A_199 : f32 to vector<16xf32>
    %swap3A_201 = arith.constant 400 : index
    %swap3A_202 = tpu.vector_load %arg6[%swap3A_201] {strides = array<i32>} : memref<640xf32, #tpu.memory_space<vmem>>, vector<16xf32>,
    %swap3A_203 = vector.shape_cast %swap3A_202 : vector<16xf32> to vector<16xf32>
    %swap3A_204 = vector.shape_cast %broadcast_in_dim3A_200 : vector<16xf32> to vector<16xf32>
    tpu.vector_store %arg6[%swap3A_201], %swap3A_204 {strides = array<i32>} : memref<640xf32, #tpu.memory_space<vmem>>, vector<16xf32>,
    %broadcast_in_dim3A_205 = arith.constant 0.000000e+00 : f32
    %broadcast_in_dim3A_206 = vector.broadcast %broadcast_in_dim3A_205 : f32 to vector<16xf32>
    %swap3A_207 = arith.constant 416 : index
    %swap3A_208 = tpu.vector_load %arg6[%swap3A_207] {strides = array<i32>} : memref<640xf32, #tpu.memory_space<vmem>>, vector<16xf32>,
    %swap3A_209 = vector.shape_cast %swap3A_208 : vector<16xf32> to vector<16xf32>
    %swap3A_210 = vector.shape_cast %broadcast_in_dim3A_206 : vector<16xf32> to vector<16xf32>
    tpu.vector_store %arg6[%swap3A_207], %swap3A_210 {strides = array<i32>} : memref<640xf32, #tpu.memory_space<vmem>>, vector<16xf32>,
    %broadcast_in_dim3A_211 = arith.constant 0.000000e+00 : f32
    %broadcast_in_dim3A_212 = vector.broadcast %broadcast_in_dim3A_211 : f32 to vector<16xf32>
    %swap3A_213 = arith.constant 432 : index
    %swap3A_214 = tpu.vector_load %arg6[%swap3A_213] {strides = array<i32>} : memref<640xf32, #tpu.memory_space<vmem>>, vector<16xf32>,
    %swap3A_215 = vector.shape_cast %swap3A_214 : vector<16xf32> to vector<16xf32>
    %swap3A_216 = vector.shape_cast %broadcast_in_dim3A_212 : vector<16xf32> to vector<16xf32>
    tpu.vector_store %arg6[%swap3A_213], %swap3A_216 {strides = array<i32>} : memref<640xf32, #tpu.memory_space<vmem>>, vector<16xf32>,
    %broadcast_in_dim3A_217 = arith.constant 0.000000e+00 : f32
    %broadcast_in_dim3A_218 = vector.broadcast %broadcast_in_dim3A_217 : f32 to vector<16xf32>
    %swap3A_219 = arith.constant 448 : index
    %swap3A_220 = tpu.vector_load %arg6[%swap3A_219] {strides = array<i32>} : memref<640xf32, #tpu.memory_space<vmem>>, vector<16xf32>,
    %swap3A_221 = vector.shape_cast %swap3A_220 : vector<16xf32> to vector<16xf32>
    %swap3A_222 = vector.shape_cast %broadcast_in_dim3A_218 : vector<16xf32> to vector<16xf32>
    tpu.vector_store %arg6[%swap3A_219], %swap3A_222 {strides = array<i32>} : memref<640xf32, #tpu.memory_space<vmem>>, vector<16xf32>,
    %broadcast_in_dim3A_223 = arith.constant 0.000000e+00 : f32
    %broadcast_in_dim3A_224 = vector.broadcast %broadcast_in_dim3A_223 : f32 to vector<16xf32>
    %swap3A_225 = arith.constant 464 : index
    %swap3A_226 = tpu.vector_load %arg6[%swap3A_225] {strides = array<i32>} : memref<640xf32, #tpu.memory_space<vmem>>, vector<16xf32>,
    %swap3A_227 = vector.shape_cast %swap3A_226 : vector<16xf32> to vector<16xf32>
    %swap3A_228 = vector.shape_cast %broadcast_in_dim3A_224 : vector<16xf32> to vector<16xf32>
    tpu.vector_store %arg6[%swap3A_225], %swap3A_228 {strides = array<i32>} : memref<640xf32, #tpu.memory_space<vmem>>, vector<16xf32>,
    %broadcast_in_dim3A_229 = arith.constant 0.000000e+00 : f32
    %broadcast_in_dim3A_230 = vector.broadcast %broadcast_in_dim3A_229 : f32 to vector<16xf32>
    %swap3A_231 = arith.constant 480 : index
    %swap3A_232 = tpu.vector_load %arg6[%swap3A_231] {strides = array<i32>} : memref<640xf32, #tpu.memory_space<vmem>>, vector<16xf32>,
    %swap3A_233 = vector.shape_cast %swap3A_232 : vector<16xf32> to vector<16xf32>
    %swap3A_234 = vector.shape_cast %broadcast_in_dim3A_230 : vector<16xf32> to vector<16xf32>
    tpu.vector_store %arg6[%swap3A_231], %swap3A_234 {strides = array<i32>} : memref<640xf32, #tpu.memory_space<vmem>>, vector<16xf32>,
    %broadcast_in_dim3A_235 = arith.constant 0.000000e+00 : f32
    %broadcast_in_dim3A_236 = vector.broadcast %broadcast_in_dim3A_235 : f32 to vector<16xf32>
    %swap3A_237 = arith.constant 496 : index
    %swap3A_238 = tpu.vector_load %arg6[%swap3A_237] {strides = array<i32>} : memref<640xf32, #tpu.memory_space<vmem>>, vector<16xf32>,
    %swap3A_239 = vector.shape_cast %swap3A_238 : vector<16xf32> to vector<16xf32>
    %swap3A_240 = vector.shape_cast %broadcast_in_dim3A_236 : vector<16xf32> to vector<16xf32>
    tpu.vector_store %arg6[%swap3A_237], %swap3A_240 {strides = array<i32>} : memref<640xf32, #tpu.memory_space<vmem>>, vector<16xf32>,
    %broadcast_in_dim3A_241 = arith.constant 0.000000e+00 : f32
    %broadcast_in_dim3A_242 = vector.broadcast %broadcast_in_dim3A_241 : f32 to vector<16xf32>
    %swap3A_243 = arith.constant 512 : index
    %swap3A_244 = tpu.vector_load %arg6[%swap3A_243] {strides = array<i32>} : memref<640xf32, #tpu.memory_space<vmem>>, vector<16xf32>,
    %swap3A_245 = vector.shape_cast %swap3A_244 : vector<16xf32> to vector<16xf32>
    %swap3A_246 = vector.shape_cast %broadcast_in_dim3A_242 : vector<16xf32> to vector<16xf32>
    tpu.vector_store %arg6[%swap3A_243], %swap3A_246 {strides = array<i32>} : memref<640xf32, #tpu.memory_space<vmem>>, vector<16xf32>,
    %broadcast_in_dim3A_247 = arith.constant 0.000000e+00 : f32
    %broadcast_in_dim3A_248 = vector.broadcast %broadcast_in_dim3A_247 : f32 to vector<16xf32>
    %swap3A_249 = arith.constant 528 : index
    %swap3A_250 = tpu.vector_load %arg6[%swap3A_249] {strides = array<i32>} : memref<640xf32, #tpu.memory_space<vmem>>, vector<16xf32>,
    %swap3A_251 = vector.shape_cast %swap3A_250 : vector<16xf32> to vector<16xf32>
    %swap3A_252 = vector.shape_cast %broadcast_in_dim3A_248 : vector<16xf32> to vector<16xf32>
    tpu.vector_store %arg6[%swap3A_249], %swap3A_252 {strides = array<i32>} : memref<640xf32, #tpu.memory_space<vmem>>, vector<16xf32>,
    %broadcast_in_dim3A_253 = arith.constant 0.000000e+00 : f32
    %broadcast_in_dim3A_254 = vector.broadcast %broadcast_in_dim3A_253 : f32 to vector<16xf32>
    %swap3A_255 = arith.constant 544 : index
    %swap3A_256 = tpu.vector_load %arg6[%swap3A_255] {strides = array<i32>} : memref<640xf32, #tpu.memory_space<vmem>>, vector<16xf32>,
    %swap3A_257 = vector.shape_cast %swap3A_256 : vector<16xf32> to vector<16xf32>
    %swap3A_258 = vector.shape_cast %broadcast_in_dim3A_254 : vector<16xf32> to vector<16xf32>
    tpu.vector_store %arg6[%swap3A_255], %swap3A_258 {strides = array<i32>} : memref<640xf32, #tpu.memory_space<vmem>>, vector<16xf32>,
    %broadcast_in_dim3A_259 = arith.constant 0.000000e+00 : f32
    %broadcast_in_dim3A_260 = vector.broadcast %broadcast_in_dim3A_259 : f32 to vector<16xf32>
    %swap3A_261 = arith.constant 560 : index
    %swap3A_262 = tpu.vector_load %arg6[%swap3A_261] {strides = array<i32>} : memref<640xf32, #tpu.memory_space<vmem>>, vector<16xf32>,
    %swap3A_263 = vector.shape_cast %swap3A_262 : vector<16xf32> to vector<16xf32>
    %swap3A_264 = vector.shape_cast %broadcast_in_dim3A_260 : vector<16xf32> to vector<16xf32>
    tpu.vector_store %arg6[%swap3A_261], %swap3A_264 {strides = array<i32>} : memref<640xf32, #tpu.memory_space<vmem>>, vector<16xf32>,
    %broadcast_in_dim3A_265 = arith.constant 0.000000e+00 : f32
    %broadcast_in_dim3A_266 = vector.broadcast %broadcast_in_dim3A_265 : f32 to vector<16xf32>
    %swap3A_267 = arith.constant 576 : index
    %swap3A_268 = tpu.vector_load %arg6[%swap3A_267] {strides = array<i32>} : memref<640xf32, #tpu.memory_space<vmem>>, vector<16xf32>,
    %swap3A_269 = vector.shape_cast %swap3A_268 : vector<16xf32> to vector<16xf32>
    %swap3A_270 = vector.shape_cast %broadcast_in_dim3A_266 : vector<16xf32> to vector<16xf32>
    tpu.vector_store %arg6[%swap3A_267], %swap3A_270 {strides = array<i32>} : memref<640xf32, #tpu.memory_space<vmem>>, vector<16xf32>,
    %broadcast_in_dim3A_271 = arith.constant 0.000000e+00 : f32
    %broadcast_in_dim3A_272 = vector.broadcast %broadcast_in_dim3A_271 : f32 to vector<16xf32>
    %swap3A_273 = arith.constant 592 : index
    %swap3A_274 = tpu.vector_load %arg6[%swap3A_273] {strides = array<i32>} : memref<640xf32, #tpu.memory_space<vmem>>, vector<16xf32>,
    %swap3A_275 = vector.shape_cast %swap3A_274 : vector<16xf32> to vector<16xf32>
    %swap3A_276 = vector.shape_cast %broadcast_in_dim3A_272 : vector<16xf32> to vector<16xf32>
    tpu.vector_store %arg6[%swap3A_273], %swap3A_276 {strides = array<i32>} : memref<640xf32, #tpu.memory_space<vmem>>, vector<16xf32>,
    %broadcast_in_dim3A_277 = arith.constant 0.000000e+00 : f32
    %broadcast_in_dim3A_278 = vector.broadcast %broadcast_in_dim3A_277 : f32 to vector<16xf32>
    %swap3A_279 = arith.constant 608 : index
    %swap3A_280 = tpu.vector_load %arg6[%swap3A_279] {strides = array<i32>} : memref<640xf32, #tpu.memory_space<vmem>>, vector<16xf32>,
    %swap3A_281 = vector.shape_cast %swap3A_280 : vector<16xf32> to vector<16xf32>
    %swap3A_282 = vector.shape_cast %broadcast_in_dim3A_278 : vector<16xf32> to vector<16xf32>
    tpu.vector_store %arg6[%swap3A_279], %swap3A_282 {strides = array<i32>} : memref<640xf32, #tpu.memory_space<vmem>>, vector<16xf32>,
    %broadcast_in_dim3A_283 = arith.constant 0.000000e+00 : f32
    %broadcast_in_dim3A_284 = vector.broadcast %broadcast_in_dim3A_283 : f32 to vector<16xf32>
    %swap3A_285 = arith.constant 624 : index
    %swap3A_286 = tpu.vector_load %arg6[%swap3A_285] {strides = array<i32>} : memref<640xf32, #tpu.memory_space<vmem>>, vector<16xf32>,
    %swap3A_287 = vector.shape_cast %swap3A_286 : vector<16xf32> to vector<16xf32>
    %swap3A_288 = vector.shape_cast %broadcast_in_dim3A_284 : vector<16xf32> to vector<16xf32>
    tpu.vector_store %arg6[%swap3A_285], %swap3A_288 {strides = array<i32>} : memref<640xf32, #tpu.memory_space<vmem>>, vector<16xf32>,
    %mul3A_289 = arith.constant 640 : i32
    %mul3A_290 = arith.muli %arg1, %mul3A_289 : i32
    "tpu.region"() ({
      %run_scoped3A = tpu.sem_alloc : memref<!tpu.dma_semaphore, #tpu.memory_space<semaphore_mem>>
      %dma_start3A_309 = tpu.memref_slice %arg7[%mul3A_290] : memref<10240xf32, #tpu.memory_space<vmem_shared>> -> memref<640xf32, #tpu.memory_space<vmem_shared>>
      %dma_start3A_310 = tpu.memref_slice %arg7[%mul3A_290] : memref<10240xf32, #tpu.memory_space<vmem_shared>> -> memref<640xf32, #tpu.memory_space<vmem_shared>>
      tpu.enqueue_dma source(%arg6 : memref<640xf32, #tpu.memory_space<vmem>>) target(%dma_start3A_310 : memref<640xf32, #tpu.memory_space<vmem_shared>>) target_semaphore(%run_scoped3A : memref<!tpu.dma_semaphore, #tpu.memory_space<semaphore_mem>>)
      %dma_wait3A_311 = tpu.memref_slice %arg7[%mul3A_290] : memref<10240xf32, #tpu.memory_space<vmem_shared>> -> memref<640xf32, #tpu.memory_space<vmem_shared>>
      %dma_wait3A_312 = tpu.memref_slice %arg7[%mul3A_290] : memref<10240xf32, #tpu.memory_space<vmem_shared>> -> memref<640xf32, #tpu.memory_space<vmem_shared>>
      tpu.wait_dma2 semaphore(%run_scoped3A : memref<!tpu.dma_semaphore, #tpu.memory_space<semaphore_mem>>) src(%arg6 : memref<640xf32, #tpu.memory_space<vmem>>) dst(%dma_wait3A_312 : memref<640xf32, #tpu.memory_space<vmem_shared>>)
      tpu.yield
    }) : () -> ()
    %barrier3A = arith.constant 0 : index
    tpu.barrier barrier_id(%barrier3A)
    %dma_wait3A = arith.constant 0 : i32
    %dma_wait3A_291 = arith.constant 0 : i32
    %dma_wait3A_292 = arith.constant 0 : i32
    %dma_wait3A_293 = tpu.memref_slice %arg2[%dma_wait3A, %add3A, %dma_wait3A_291, %dma_wait3A_292] : memref<2x32x100x100xi32, #tpu.memory_space<hbm>> -> memref<1x1x100x100xi32, #tpu.memory_space<hbm>>
    %dma_wait3A_294 = tpu.memref_squeeze %dma_wait3A_293 : memref<1x1x100x100xi32, #tpu.memory_space<hbm>> -> memref<100x100xi32, #tpu.memory_space<hbm>>
    %dma_wait3A_295 = arith.constant 0 : i32
    %dma_wait3A_296 = arith.constant 0 : i32
    %dma_wait3A_297 = tpu.memref_slice %arg2[%dma_wait3A, %add3A, %dma_wait3A_295, %dma_wait3A_296] : memref<2x32x100x100xi32, #tpu.memory_space<hbm>> -> memref<1x1x100x100xi32, #tpu.memory_space<hbm>>
    %dma_wait3A_298 = tpu.memref_squeeze %dma_wait3A_297 : memref<1x1x100x100xi32, #tpu.memory_space<hbm>> -> memref<100x100xi32, #tpu.memory_space<hbm>>
    tpu.wait_dma2 semaphore(%arg8 : memref<!tpu.dma_semaphore, #tpu.memory_space<semaphore_mem>>) src(%dma_wait3A_298 : memref<100x100xi32, #tpu.memory_space<hbm>>) dst(%arg4 : memref<100x100xi32, #tpu.memory_space<vmem>>)
    %scan3A = arith.constant 0 : i32
    %scan3A_299 = arith.constant 0 : i32
    %scan3A_300 = arith.constant 4 : i32
    %scan3A_301 = arith.addi %scan3A_299, %scan3A_300 : i32
    %scan3A_302 = arith.constant 1 : i32
    scf.for %scan3A_309 = %scan3A_299 to %scan3A_301 step %scan3A_302  : i32 {
      %mul3A_310 = arith.constant 25 : i32
      %mul3A_311 = arith.muli %scan3A_309, %mul3A_310 : i32
      %add3A_312 = arith.constant 0 : i32
      %add3A_313 = arith.addi %mul3A_311, %add3A_312 : i32
      %dma_start3A_314 = arith.constant 0 : i32
      %dma_start3A_315 = tpu.memref_slice %arg5[%dma_start3A_314] : memref<112xf32, #tpu.memory_space<vmem>> -> memref<100xf32, #tpu.memory_space<vmem>>
      %dma_start3A_316 = arith.constant 0 : i32
      %dma_start3A_317 = tpu.memref_slice %arg4[%add3A_313, %dma_start3A_316] : memref<100x100xi32, #tpu.memory_space<vmem>> -> memref<1x100xi32, #tpu.memory_space<vmem>>
      %dma_start3A_318 = tpu.memref_squeeze %dma_start3A_317 : memref<1x100xi32, #tpu.memory_space<vmem>> -> memref<100xi32, #tpu.memory_space<vmem>>
      %dma_start3A_319 = arith.constant 0 : i32
      %dma_start3A_320 = tpu.memref_slice %arg7[%dma_start3A_319] : memref<10240xf32, #tpu.memory_space<vmem_shared>> -> memref<10240xf32, #tpu.memory_space<vmem_shared>>
      tpu.enqueue_indirect_dma source(%dma_start3A_315 : memref<100xf32, #tpu.memory_space<vmem>>) target(%dma_start3A_320 : memref<10240xf32, #tpu.memory_space<vmem_shared>>) offsets(%dma_start3A_318 : memref<100xi32, #tpu.memory_space<vmem>>) semaphore(%arg8 : memref<!tpu.dma_semaphore, #tpu.memory_space<semaphore_mem>>) {add = true}
      %mul3A_321 = arith.constant 25 : i32
      %mul3A_322 = arith.muli %scan3A_309, %mul3A_321 : i32
      %add3A_323 = arith.constant 1 : i32
      %add3A_324 = arith.addi %mul3A_322, %add3A_323 : i32
      %dma_start3A_325 = arith.constant 0 : i32
      %dma_start3A_326 = tpu.memref_slice %arg5[%dma_start3A_325] : memref<112xf32, #tpu.memory_space<vmem>> -> memref<100xf32, #tpu.memory_space<vmem>>
      %dma_start3A_327 = arith.constant 0 : i32
      %dma_start3A_328 = tpu.memref_slice %arg4[%add3A_324, %dma_start3A_327] : memref<100x100xi32, #tpu.memory_space<vmem>> -> memref<1x100xi32, #tpu.memory_space<vmem>>
      %dma_start3A_329 = tpu.memref_squeeze %dma_start3A_328 : memref<1x100xi32, #tpu.memory_space<vmem>> -> memref<100xi32, #tpu.memory_space<vmem>>
      %dma_start3A_330 = arith.constant 0 : i32
      %dma_start3A_331 = tpu.memref_slice %arg7[%dma_start3A_330] : memref<10240xf32, #tpu.memory_space<vmem_shared>> -> memref<10240xf32, #tpu.memory_space<vmem_shared>>
      tpu.enqueue_indirect_dma source(%dma_start3A_326 : memref<100xf32, #tpu.memory_space<vmem>>) target(%dma_start3A_331 : memref<10240xf32, #tpu.memory_space<vmem_shared>>) offsets(%dma_start3A_329 : memref<100xi32, #tpu.memory_space<vmem>>) semaphore(%arg8 : memref<!tpu.dma_semaphore, #tpu.memory_space<semaphore_mem>>) {add = true}
      %mul3A_332 = arith.constant 25 : i32
      %mul3A_333 = arith.muli %scan3A_309, %mul3A_332 : i32
      %add3A_334 = arith.constant 2 : i32
      %add3A_335 = arith.addi %mul3A_333, %add3A_334 : i32
      %dma_start3A_336 = arith.constant 0 : i32
      %dma_start3A_337 = tpu.memref_slice %arg5[%dma_start3A_336] : memref<112xf32, #tpu.memory_space<vmem>> -> memref<100xf32, #tpu.memory_space<vmem>>
      %dma_start3A_338 = arith.constant 0 : i32
      %dma_start3A_339 = tpu.memref_slice %arg4[%add3A_335, %dma_start3A_338] : memref<100x100xi32, #tpu.memory_space<vmem>> -> memref<1x100xi32, #tpu.memory_space<vmem>>
      %dma_start3A_340 = tpu.memref_squeeze %dma_start3A_339 : memref<1x100xi32, #tpu.memory_space<vmem>> -> memref<100xi32, #tpu.memory_space<vmem>>
      %dma_start3A_341 = arith.constant 0 : i32
      %dma_start3A_342 = tpu.memref_slice %arg7[%dma_start3A_341] : memref<10240xf32, #tpu.memory_space<vmem_shared>> -> memref<10240xf32, #tpu.memory_space<vmem_shared>>
      tpu.enqueue_indirect_dma source(%dma_start3A_337 : memref<100xf32, #tpu.memory_space<vmem>>) target(%dma_start3A_342 : memref<10240xf32, #tpu.memory_space<vmem_shared>>) offsets(%dma_start3A_340 : memref<100xi32, #tpu.memory_space<vmem>>) semaphore(%arg8 : memref<!tpu.dma_semaphore, #tpu.memory_space<semaphore_mem>>) {add = true}
      %mul3A_343 = arith.constant 25 : i32
      %mul3A_344 = arith.muli %scan3A_309, %mul3A_343 : i32
      %add3A_345 = arith.constant 3 : i32
      %add3A_346 = arith.addi %mul3A_344, %add3A_345 : i32
      %dma_start3A_347 = arith.constant 0 : i32
      %dma_start3A_348 = tpu.memref_slice %arg5[%dma_start3A_347] : memref<112xf32, #tpu.memory_space<vmem>> -> memref<100xf32, #tpu.memory_space<vmem>>
      %dma_start3A_349 = arith.constant 0 : i32
      %dma_start3A_350 = tpu.memref_slice %arg4[%add3A_346, %dma_start3A_349] : memref<100x100xi32, #tpu.memory_space<vmem>> -> memref<1x100xi32, #tpu.memory_space<vmem>>
      %dma_start3A_351 = tpu.memref_squeeze %dma_start3A_350 : memref<1x100xi32, #tpu.memory_space<vmem>> -> memref<100xi32, #tpu.memory_space<vmem>>
      %dma_start3A_352 = arith.constant 0 : i32
      %dma_start3A_353 = tpu.memref_slice %arg7[%dma_start3A_352] : memref<10240xf32, #tpu.memory_space<vmem_shared>> -> memref<10240xf32, #tpu.memory_space<vmem_shared>>
      tpu.enqueue_indirect_dma source(%dma_start3A_348 : memref<100xf32, #tpu.memory_space<vmem>>) target(%dma_start3A_353 : memref<10240xf32, #tpu.memory_space<vmem_shared>>) offsets(%dma_start3A_351 : memref<100xi32, #tpu.memory_space<vmem>>) semaphore(%arg8 : memref<!tpu.dma_semaphore, #tpu.memory_space<semaphore_mem>>) {add = true}
      %mul3A_354 = arith.constant 25 : i32
      %mul3A_355 = arith.muli %scan3A_309, %mul3A_354 : i32
      %add3A_356 = arith.constant 4 : i32
      %add3A_357 = arith.addi %mul3A_355, %add3A_356 : i32
      %dma_start3A_358 = arith.constant 0 : i32
      %dma_start3A_359 = tpu.memref_slice %arg5[%dma_start3A_358] : memref<112xf32, #tpu.memory_space<vmem>> -> memref<100xf32, #tpu.memory_space<vmem>>
      %dma_start3A_360 = arith.constant 0 : i32
      %dma_start3A_361 = tpu.memref_slice %arg4[%add3A_357, %dma_start3A_360] : memref<100x100xi32, #tpu.memory_space<vmem>> -> memref<1x100xi32, #tpu.memory_space<vmem>>
      %dma_start3A_362 = tpu.memref_squeeze %dma_start3A_361 : memref<1x100xi32, #tpu.memory_space<vmem>> -> memref<100xi32, #tpu.memory_space<vmem>>
      %dma_start3A_363 = arith.constant 0 : i32
      %dma_start3A_364 = tpu.memref_slice %arg7[%dma_start3A_363] : memref<10240xf32, #tpu.memory_space<vmem_shared>> -> memref<10240xf32, #tpu.memory_space<vmem_shared>>
      tpu.enqueue_indirect_dma source(%dma_start3A_359 : memref<100xf32, #tpu.memory_space<vmem>>) target(%dma_start3A_364 : memref<10240xf32, #tpu.memory_space<vmem_shared>>) offsets(%dma_start3A_362 : memref<100xi32, #tpu.memory_space<vmem>>) semaphore(%arg8 : memref<!tpu.dma_semaphore, #tpu.memory_space<semaphore_mem>>) {add = true}
      %mul3A_365 = arith.constant 25 : i32
      %mul3A_366 = arith.muli %scan3A_309, %mul3A_365 : i32
      %add3A_367 = arith.constant 5 : i32
      %add3A_368 = arith.addi %mul3A_366, %add3A_367 : i32
      %dma_start3A_369 = arith.constant 0 : i32
      %dma_start3A_370 = tpu.memref_slice %arg5[%dma_start3A_369] : memref<112xf32, #tpu.memory_space<vmem>> -> memref<100xf32, #tpu.memory_space<vmem>>
      %dma_start3A_371 = arith.constant 0 : i32
      %dma_start3A_372 = tpu.memref_slice %arg4[%add3A_368, %dma_start3A_371] : memref<100x100xi32, #tpu.memory_space<vmem>> -> memref<1x100xi32, #tpu.memory_space<vmem>>
      %dma_start3A_373 = tpu.memref_squeeze %dma_start3A_372 : memref<1x100xi32, #tpu.memory_space<vmem>> -> memref<100xi32, #tpu.memory_space<vmem>>
      %dma_start3A_374 = arith.constant 0 : i32
      %dma_start3A_375 = tpu.memref_slice %arg7[%dma_start3A_374] : memref<10240xf32, #tpu.memory_space<vmem_shared>> -> memref<10240xf32, #tpu.memory_space<vmem_shared>>
      tpu.enqueue_indirect_dma source(%dma_start3A_370 : memref<100xf32, #tpu.memory_space<vmem>>) target(%dma_start3A_375 : memref<10240xf32, #tpu.memory_space<vmem_shared>>) offsets(%dma_start3A_373 : memref<100xi32, #tpu.memory_space<vmem>>) semaphore(%arg8 : memref<!tpu.dma_semaphore, #tpu.memory_space<semaphore_mem>>) {add = true}
      %mul3A_376 = arith.constant 25 : i32
      %mul3A_377 = arith.muli %scan3A_309, %mul3A_376 : i32
      %add3A_378 = arith.constant 6 : i32
      %add3A_379 = arith.addi %mul3A_377, %add3A_378 : i32
      %dma_start3A_380 = arith.constant 0 : i32
      %dma_start3A_381 = tpu.memref_slice %arg5[%dma_start3A_380] : memref<112xf32, #tpu.memory_space<vmem>> -> memref<100xf32, #tpu.memory_space<vmem>>
      %dma_start3A_382 = arith.constant 0 : i32
      %dma_start3A_383 = tpu.memref_slice %arg4[%add3A_379, %dma_start3A_382] : memref<100x100xi32, #tpu.memory_space<vmem>> -> memref<1x100xi32, #tpu.memory_space<vmem>>
      %dma_start3A_384 = tpu.memref_squeeze %dma_start3A_383 : memref<1x100xi32, #tpu.memory_space<vmem>> -> memref<100xi32, #tpu.memory_space<vmem>>
      %dma_start3A_385 = arith.constant 0 : i32
      %dma_start3A_386 = tpu.memref_slice %arg7[%dma_start3A_385] : memref<10240xf32, #tpu.memory_space<vmem_shared>> -> memref<10240xf32, #tpu.memory_space<vmem_shared>>
      tpu.enqueue_indirect_dma source(%dma_start3A_381 : memref<100xf32, #tpu.memory_space<vmem>>) target(%dma_start3A_386 : memref<10240xf32, #tpu.memory_space<vmem_shared>>) offsets(%dma_start3A_384 : memref<100xi32, #tpu.memory_space<vmem>>) semaphore(%arg8 : memref<!tpu.dma_semaphore, #tpu.memory_space<semaphore_mem>>) {add = true}
      %mul3A_387 = arith.constant 25 : i32
      %mul3A_388 = arith.muli %scan3A_309, %mul3A_387 : i32
      %add3A_389 = arith.constant 7 : i32
      %add3A_390 = arith.addi %mul3A_388, %add3A_389 : i32
      %dma_start3A_391 = arith.constant 0 : i32
      %dma_start3A_392 = tpu.memref_slice %arg5[%dma_start3A_391] : memref<112xf32, #tpu.memory_space<vmem>> -> memref<100xf32, #tpu.memory_space<vmem>>
      %dma_start3A_393 = arith.constant 0 : i32
      %dma_start3A_394 = tpu.memref_slice %arg4[%add3A_390, %dma_start3A_393] : memref<100x100xi32, #tpu.memory_space<vmem>> -> memref<1x100xi32, #tpu.memory_space<vmem>>
      %dma_start3A_395 = tpu.memref_squeeze %dma_start3A_394 : memref<1x100xi32, #tpu.memory_space<vmem>> -> memref<100xi32, #tpu.memory_space<vmem>>
      %dma_start3A_396 = arith.constant 0 : i32
      %dma_start3A_397 = tpu.memref_slice %arg7[%dma_start3A_396] : memref<10240xf32, #tpu.memory_space<vmem_shared>> -> memref<10240xf32, #tpu.memory_space<vmem_shared>>
      tpu.enqueue_indirect_dma source(%dma_start3A_392 : memref<100xf32, #tpu.memory_space<vmem>>) target(%dma_start3A_397 : memref<10240xf32, #tpu.memory_space<vmem_shared>>) offsets(%dma_start3A_395 : memref<100xi32, #tpu.memory_space<vmem>>) semaphore(%arg8 : memref<!tpu.dma_semaphore, #tpu.memory_space<semaphore_mem>>) {add = true}
      %mul3A_398 = arith.constant 25 : i32
      %mul3A_399 = arith.muli %scan3A_309, %mul3A_398 : i32
      %add3A_400 = arith.constant 8 : i32
      %add3A_401 = arith.addi %mul3A_399, %add3A_400 : i32
      %dma_start3A_402 = arith.constant 0 : i32
      %dma_start3A_403 = tpu.memref_slice %arg5[%dma_start3A_402] : memref<112xf32, #tpu.memory_space<vmem>> -> memref<100xf32, #tpu.memory_space<vmem>>
      %dma_start3A_404 = arith.constant 0 : i32
      %dma_start3A_405 = tpu.memref_slice %arg4[%add3A_401, %dma_start3A_404] : memref<100x100xi32, #tpu.memory_space<vmem>> -> memref<1x100xi32, #tpu.memory_space<vmem>>
      %dma_start3A_406 = tpu.memref_squeeze %dma_start3A_405 : memref<1x100xi32, #tpu.memory_space<vmem>> -> memref<100xi32, #tpu.memory_space<vmem>>
      %dma_start3A_407 = arith.constant 0 : i32
      %dma_start3A_408 = tpu.memref_slice %arg7[%dma_start3A_407] : memref<10240xf32, #tpu.memory_space<vmem_shared>> -> memref<10240xf32, #tpu.memory_space<vmem_shared>>
      tpu.enqueue_indirect_dma source(%dma_start3A_403 : memref<100xf32, #tpu.memory_space<vmem>>) target(%dma_start3A_408 : memref<10240xf32, #tpu.memory_space<vmem_shared>>) offsets(%dma_start3A_406 : memref<100xi32, #tpu.memory_space<vmem>>) semaphore(%arg8 : memref<!tpu.dma_semaphore, #tpu.memory_space<semaphore_mem>>) {add = true}
      %mul3A_409 = arith.constant 25 : i32
      %mul3A_410 = arith.muli %scan3A_309, %mul3A_409 : i32
      %add3A_411 = arith.constant 9 : i32
      %add3A_412 = arith.addi %mul3A_410, %add3A_411 : i32
      %dma_start3A_413 = arith.constant 0 : i32
      %dma_start3A_414 = tpu.memref_slice %arg5[%dma_start3A_413] : memref<112xf32, #tpu.memory_space<vmem>> -> memref<100xf32, #tpu.memory_space<vmem>>
      %dma_start3A_415 = arith.constant 0 : i32
      %dma_start3A_416 = tpu.memref_slice %arg4[%add3A_412, %dma_start3A_415] : memref<100x100xi32, #tpu.memory_space<vmem>> -> memref<1x100xi32, #tpu.memory_space<vmem>>
      %dma_start3A_417 = tpu.memref_squeeze %dma_start3A_416 : memref<1x100xi32, #tpu.memory_space<vmem>> -> memref<100xi32, #tpu.memory_space<vmem>>
      %dma_start3A_418 = arith.constant 0 : i32
      %dma_start3A_419 = tpu.memref_slice %arg7[%dma_start3A_418] : memref<10240xf32, #tpu.memory_space<vmem_shared>> -> memref<10240xf32, #tpu.memory_space<vmem_shared>>
      tpu.enqueue_indirect_dma source(%dma_start3A_414 : memref<100xf32, #tpu.memory_space<vmem>>) target(%dma_start3A_419 : memref<10240xf32, #tpu.memory_space<vmem_shared>>) offsets(%dma_start3A_417 : memref<100xi32, #tpu.memory_space<vmem>>) semaphore(%arg8 : memref<!tpu.dma_semaphore, #tpu.memory_space<semaphore_mem>>) {add = true}
      %mul3A_420 = arith.constant 25 : i32
      %mul3A_421 = arith.muli %scan3A_309, %mul3A_420 : i32
      %add3A_422 = arith.constant 10 : i32
      %add3A_423 = arith.addi %mul3A_421, %add3A_422 : i32
      %dma_start3A_424 = arith.constant 0 : i32
      %dma_start3A_425 = tpu.memref_slice %arg5[%dma_start3A_424] : memref<112xf32, #tpu.memory_space<vmem>> -> memref<100xf32, #tpu.memory_space<vmem>>
      %dma_start3A_426 = arith.constant 0 : i32
      %dma_start3A_427 = tpu.memref_slice %arg4[%add3A_423, %dma_start3A_426] : memref<100x100xi32, #tpu.memory_space<vmem>> -> memref<1x100xi32, #tpu.memory_space<vmem>>
      %dma_start3A_428 = tpu.memref_squeeze %dma_start3A_427 : memref<1x100xi32, #tpu.memory_space<vmem>> -> memref<100xi32, #tpu.memory_space<vmem>>
      %dma_start3A_429 = arith.constant 0 : i32
      %dma_start3A_430 = tpu.memref_slice %arg7[%dma_start3A_429] : memref<10240xf32, #tpu.memory_space<vmem_shared>> -> memref<10240xf32, #tpu.memory_space<vmem_shared>>
      tpu.enqueue_indirect_dma source(%dma_start3A_425 : memref<100xf32, #tpu.memory_space<vmem>>) target(%dma_start3A_430 : memref<10240xf32, #tpu.memory_space<vmem_shared>>) offsets(%dma_start3A_428 : memref<100xi32, #tpu.memory_space<vmem>>) semaphore(%arg8 : memref<!tpu.dma_semaphore, #tpu.memory_space<semaphore_mem>>) {add = true}
      %mul3A_431 = arith.constant 25 : i32
      %mul3A_432 = arith.muli %scan3A_309, %mul3A_431 : i32
      %add3A_433 = arith.constant 11 : i32
      %add3A_434 = arith.addi %mul3A_432, %add3A_433 : i32
      %dma_start3A_435 = arith.constant 0 : i32
      %dma_start3A_436 = tpu.memref_slice %arg5[%dma_start3A_435] : memref<112xf32, #tpu.memory_space<vmem>> -> memref<100xf32, #tpu.memory_space<vmem>>
      %dma_start3A_437 = arith.constant 0 : i32
      %dma_start3A_438 = tpu.memref_slice %arg4[%add3A_434, %dma_start3A_437] : memref<100x100xi32, #tpu.memory_space<vmem>> -> memref<1x100xi32, #tpu.memory_space<vmem>>
      %dma_start3A_439 = tpu.memref_squeeze %dma_start3A_438 : memref<1x100xi32, #tpu.memory_space<vmem>> -> memref<100xi32, #tpu.memory_space<vmem>>
      %dma_start3A_440 = arith.constant 0 : i32
      %dma_start3A_441 = tpu.memref_slice %arg7[%dma_start3A_440] : memref<10240xf32, #tpu.memory_space<vmem_shared>> -> memref<10240xf32, #tpu.memory_space<vmem_shared>>
      tpu.enqueue_indirect_dma source(%dma_start3A_436 : memref<100xf32, #tpu.memory_space<vmem>>) target(%dma_start3A_441 : memref<10240xf32, #tpu.memory_space<vmem_shared>>) offsets(%dma_start3A_439 : memref<100xi32, #tpu.memory_space<vmem>>) semaphore(%arg8 : memref<!tpu.dma_semaphore, #tpu.memory_space<semaphore_mem>>) {add = true}
      %mul3A_442 = arith.constant 25 : i32
      %mul3A_443 = arith.muli %scan3A_309, %mul3A_442 : i32
      %add3A_444 = arith.constant 12 : i32
      %add3A_445 = arith.addi %mul3A_443, %add3A_444 : i32
      %dma_start3A_446 = arith.constant 0 : i32
      %dma_start3A_447 = tpu.memref_slice %arg5[%dma_start3A_446] : memref<112xf32, #tpu.memory_space<vmem>> -> memref<100xf32, #tpu.memory_space<vmem>>
      %dma_start3A_448 = arith.constant 0 : i32
      %dma_start3A_449 = tpu.memref_slice %arg4[%add3A_445, %dma_start3A_448] : memref<100x100xi32, #tpu.memory_space<vmem>> -> memref<1x100xi32, #tpu.memory_space<vmem>>
      %dma_start3A_450 = tpu.memref_squeeze %dma_start3A_449 : memref<1x100xi32, #tpu.memory_space<vmem>> -> memref<100xi32, #tpu.memory_space<vmem>>
      %dma_start3A_451 = arith.constant 0 : i32
      %dma_start3A_452 = tpu.memref_slice %arg7[%dma_start3A_451] : memref<10240xf32, #tpu.memory_space<vmem_shared>> -> memref<10240xf32, #tpu.memory_space<vmem_shared>>
      tpu.enqueue_indirect_dma source(%dma_start3A_447 : memref<100xf32, #tpu.memory_space<vmem>>) target(%dma_start3A_452 : memref<10240xf32, #tpu.memory_space<vmem_shared>>) offsets(%dma_start3A_450 : memref<100xi32, #tpu.memory_space<vmem>>) semaphore(%arg8 : memref<!tpu.dma_semaphore, #tpu.memory_space<semaphore_mem>>) {add = true}
      %mul3A_453 = arith.constant 25 : i32
      %mul3A_454 = arith.muli %scan3A_309, %mul3A_453 : i32
      %add3A_455 = arith.constant 13 : i32
      %add3A_456 = arith.addi %mul3A_454, %add3A_455 : i32
      %dma_start3A_457 = arith.constant 0 : i32
      %dma_start3A_458 = tpu.memref_slice %arg5[%dma_start3A_457] : memref<112xf32, #tpu.memory_space<vmem>> -> memref<100xf32, #tpu.memory_space<vmem>>
      %dma_start3A_459 = arith.constant 0 : i32
      %dma_start3A_460 = tpu.memref_slice %arg4[%add3A_456, %dma_start3A_459] : memref<100x100xi32, #tpu.memory_space<vmem>> -> memref<1x100xi32, #tpu.memory_space<vmem>>
      %dma_start3A_461 = tpu.memref_squeeze %dma_start3A_460 : memref<1x100xi32, #tpu.memory_space<vmem>> -> memref<100xi32, #tpu.memory_space<vmem>>
      %dma_start3A_462 = arith.constant 0 : i32
      %dma_start3A_463 = tpu.memref_slice %arg7[%dma_start3A_462] : memref<10240xf32, #tpu.memory_space<vmem_shared>> -> memref<10240xf32, #tpu.memory_space<vmem_shared>>
      tpu.enqueue_indirect_dma source(%dma_start3A_458 : memref<100xf32, #tpu.memory_space<vmem>>) target(%dma_start3A_463 : memref<10240xf32, #tpu.memory_space<vmem_shared>>) offsets(%dma_start3A_461 : memref<100xi32, #tpu.memory_space<vmem>>) semaphore(%arg8 : memref<!tpu.dma_semaphore, #tpu.memory_space<semaphore_mem>>) {add = true}
      %mul3A_464 = arith.constant 25 : i32
      %mul3A_465 = arith.muli %scan3A_309, %mul3A_464 : i32
      %add3A_466 = arith.constant 14 : i32
      %add3A_467 = arith.addi %mul3A_465, %add3A_466 : i32
      %dma_start3A_468 = arith.constant 0 : i32
      %dma_start3A_469 = tpu.memref_slice %arg5[%dma_start3A_468] : memref<112xf32, #tpu.memory_space<vmem>> -> memref<100xf32, #tpu.memory_space<vmem>>
      %dma_start3A_470 = arith.constant 0 : i32
      %dma_start3A_471 = tpu.memref_slice %arg4[%add3A_467, %dma_start3A_470] : memref<100x100xi32, #tpu.memory_space<vmem>> -> memref<1x100xi32, #tpu.memory_space<vmem>>
      %dma_start3A_472 = tpu.memref_squeeze %dma_start3A_471 : memref<1x100xi32, #tpu.memory_space<vmem>> -> memref<100xi32, #tpu.memory_space<vmem>>
      %dma_start3A_473 = arith.constant 0 : i32
      %dma_start3A_474 = tpu.memref_slice %arg7[%dma_start3A_473] : memref<10240xf32, #tpu.memory_space<vmem_shared>> -> memref<10240xf32, #tpu.memory_space<vmem_shared>>
      tpu.enqueue_indirect_dma source(%dma_start3A_469 : memref<100xf32, #tpu.memory_space<vmem>>) target(%dma_start3A_474 : memref<10240xf32, #tpu.memory_space<vmem_shared>>) offsets(%dma_start3A_472 : memref<100xi32, #tpu.memory_space<vmem>>) semaphore(%arg8 : memref<!tpu.dma_semaphore, #tpu.memory_space<semaphore_mem>>) {add = true}
      %mul3A_475 = arith.constant 25 : i32
      %mul3A_476 = arith.muli %scan3A_309, %mul3A_475 : i32
      %add3A_477 = arith.constant 15 : i32
      %add3A_478 = arith.addi %mul3A_476, %add3A_477 : i32
      %dma_start3A_479 = arith.constant 0 : i32
      %dma_start3A_480 = tpu.memref_slice %arg5[%dma_start3A_479] : memref<112xf32, #tpu.memory_space<vmem>> -> memref<100xf32, #tpu.memory_space<vmem>>
      %dma_start3A_481 = arith.constant 0 : i32
      %dma_start3A_482 = tpu.memref_slice %arg4[%add3A_478, %dma_start3A_481] : memref<100x100xi32, #tpu.memory_space<vmem>> -> memref<1x100xi32, #tpu.memory_space<vmem>>
      %dma_start3A_483 = tpu.memref_squeeze %dma_start3A_482 : memref<1x100xi32, #tpu.memory_space<vmem>> -> memref<100xi32, #tpu.memory_space<vmem>>
      %dma_start3A_484 = arith.constant 0 : i32
      %dma_start3A_485 = tpu.memref_slice %arg7[%dma_start3A_484] : memref<10240xf32, #tpu.memory_space<vmem_shared>> -> memref<10240xf32, #tpu.memory_space<vmem_shared>>
      tpu.enqueue_indirect_dma source(%dma_start3A_480 : memref<100xf32, #tpu.memory_space<vmem>>) target(%dma_start3A_485 : memref<10240xf32, #tpu.memory_space<vmem_shared>>) offsets(%dma_start3A_483 : memref<100xi32, #tpu.memory_space<vmem>>) semaphore(%arg8 : memref<!tpu.dma_semaphore, #tpu.memory_space<semaphore_mem>>) {add = true}
      %mul3A_486 = arith.constant 25 : i32
      %mul3A_487 = arith.muli %scan3A_309, %mul3A_486 : i32
      %add3A_488 = arith.constant 16 : i32
      %add3A_489 = arith.addi %mul3A_487, %add3A_488 : i32
      %dma_start3A_490 = arith.constant 0 : i32
      %dma_start3A_491 = tpu.memref_slice %arg5[%dma_start3A_490] : memref<112xf32, #tpu.memory_space<vmem>> -> memref<100xf32, #tpu.memory_space<vmem>>
      %dma_start3A_492 = arith.constant 0 : i32
      %dma_start3A_493 = tpu.memref_slice %arg4[%add3A_489, %dma_start3A_492] : memref<100x100xi32, #tpu.memory_space<vmem>> -> memref<1x100xi32, #tpu.memory_space<vmem>>
      %dma_start3A_494 = tpu.memref_squeeze %dma_start3A_493 : memref<1x100xi32, #tpu.memory_space<vmem>> -> memref<100xi32, #tpu.memory_space<vmem>>
      %dma_start3A_495 = arith.constant 0 : i32
      %dma_start3A_496 = tpu.memref_slice %arg7[%dma_start3A_495] : memref<10240xf32, #tpu.memory_space<vmem_shared>> -> memref<10240xf32, #tpu.memory_space<vmem_shared>>
      tpu.enqueue_indirect_dma source(%dma_start3A_491 : memref<100xf32, #tpu.memory_space<vmem>>) target(%dma_start3A_496 : memref<10240xf32, #tpu.memory_space<vmem_shared>>) offsets(%dma_start3A_494 : memref<100xi32, #tpu.memory_space<vmem>>) semaphore(%arg8 : memref<!tpu.dma_semaphore, #tpu.memory_space<semaphore_mem>>) {add = true}
      %mul3A_497 = arith.constant 25 : i32
      %mul3A_498 = arith.muli %scan3A_309, %mul3A_497 : i32
      %add3A_499 = arith.constant 17 : i32
      %add3A_500 = arith.addi %mul3A_498, %add3A_499 : i32
      %dma_start3A_501 = arith.constant 0 : i32
      %dma_start3A_502 = tpu.memref_slice %arg5[%dma_start3A_501] : memref<112xf32, #tpu.memory_space<vmem>> -> memref<100xf32, #tpu.memory_space<vmem>>
      %dma_start3A_503 = arith.constant 0 : i32
      %dma_start3A_504 = tpu.memref_slice %arg4[%add3A_500, %dma_start3A_503] : memref<100x100xi32, #tpu.memory_space<vmem>> -> memref<1x100xi32, #tpu.memory_space<vmem>>
      %dma_start3A_505 = tpu.memref_squeeze %dma_start3A_504 : memref<1x100xi32, #tpu.memory_space<vmem>> -> memref<100xi32, #tpu.memory_space<vmem>>
      %dma_start3A_506 = arith.constant 0 : i32
      %dma_start3A_507 = tpu.memref_slice %arg7[%dma_start3A_506] : memref<10240xf32, #tpu.memory_space<vmem_shared>> -> memref<10240xf32, #tpu.memory_space<vmem_shared>>
      tpu.enqueue_indirect_dma source(%dma_start3A_502 : memref<100xf32, #tpu.memory_space<vmem>>) target(%dma_start3A_507 : memref<10240xf32, #tpu.memory_space<vmem_shared>>) offsets(%dma_start3A_505 : memref<100xi32, #tpu.memory_space<vmem>>) semaphore(%arg8 : memref<!tpu.dma_semaphore, #tpu.memory_space<semaphore_mem>>) {add = true}
      %mul3A_508 = arith.constant 25 : i32
      %mul3A_509 = arith.muli %scan3A_309, %mul3A_508 : i32
      %add3A_510 = arith.constant 18 : i32
      %add3A_511 = arith.addi %mul3A_509, %add3A_510 : i32
      %dma_start3A_512 = arith.constant 0 : i32
      %dma_start3A_513 = tpu.memref_slice %arg5[%dma_start3A_512] : memref<112xf32, #tpu.memory_space<vmem>> -> memref<100xf32, #tpu.memory_space<vmem>>
      %dma_start3A_514 = arith.constant 0 : i32
      %dma_start3A_515 = tpu.memref_slice %arg4[%add3A_511, %dma_start3A_514] : memref<100x100xi32, #tpu.memory_space<vmem>> -> memref<1x100xi32, #tpu.memory_space<vmem>>
      %dma_start3A_516 = tpu.memref_squeeze %dma_start3A_515 : memref<1x100xi32, #tpu.memory_space<vmem>> -> memref<100xi32, #tpu.memory_space<vmem>>
      %dma_start3A_517 = arith.constant 0 : i32
      %dma_start3A_518 = tpu.memref_slice %arg7[%dma_start3A_517] : memref<10240xf32, #tpu.memory_space<vmem_shared>> -> memref<10240xf32, #tpu.memory_space<vmem_shared>>
      tpu.enqueue_indirect_dma source(%dma_start3A_513 : memref<100xf32, #tpu.memory_space<vmem>>) target(%dma_start3A_518 : memref<10240xf32, #tpu.memory_space<vmem_shared>>) offsets(%dma_start3A_516 : memref<100xi32, #tpu.memory_space<vmem>>) semaphore(%arg8 : memref<!tpu.dma_semaphore, #tpu.memory_space<semaphore_mem>>) {add = true}
      %mul3A_519 = arith.constant 25 : i32
      %mul3A_520 = arith.muli %scan3A_309, %mul3A_519 : i32
      %add3A_521 = arith.constant 19 : i32
      %add3A_522 = arith.addi %mul3A_520, %add3A_521 : i32
      %dma_start3A_523 = arith.constant 0 : i32
      %dma_start3A_524 = tpu.memref_slice %arg5[%dma_start3A_523] : memref<112xf32, #tpu.memory_space<vmem>> -> memref<100xf32, #tpu.memory_space<vmem>>
      %dma_start3A_525 = arith.constant 0 : i32
      %dma_start3A_526 = tpu.memref_slice %arg4[%add3A_522, %dma_start3A_525] : memref<100x100xi32, #tpu.memory_space<vmem>> -> memref<1x100xi32, #tpu.memory_space<vmem>>
      %dma_start3A_527 = tpu.memref_squeeze %dma_start3A_526 : memref<1x100xi32, #tpu.memory_space<vmem>> -> memref<100xi32, #tpu.memory_space<vmem>>
      %dma_start3A_528 = arith.constant 0 : i32
      %dma_start3A_529 = tpu.memref_slice %arg7[%dma_start3A_528] : memref<10240xf32, #tpu.memory_space<vmem_shared>> -> memref<10240xf32, #tpu.memory_space<vmem_shared>>
      tpu.enqueue_indirect_dma source(%dma_start3A_524 : memref<100xf32, #tpu.memory_space<vmem>>) target(%dma_start3A_529 : memref<10240xf32, #tpu.memory_space<vmem_shared>>) offsets(%dma_start3A_527 : memref<100xi32, #tpu.memory_space<vmem>>) semaphore(%arg8 : memref<!tpu.dma_semaphore, #tpu.memory_space<semaphore_mem>>) {add = true}
      %mul3A_530 = arith.constant 25 : i32
      %mul3A_531 = arith.muli %scan3A_309, %mul3A_530 : i32
      %add3A_532 = arith.constant 20 : i32
      %add3A_533 = arith.addi %mul3A_531, %add3A_532 : i32
      %dma_start3A_534 = arith.constant 0 : i32
      %dma_start3A_535 = tpu.memref_slice %arg5[%dma_start3A_534] : memref<112xf32, #tpu.memory_space<vmem>> -> memref<100xf32, #tpu.memory_space<vmem>>
      %dma_start3A_536 = arith.constant 0 : i32
      %dma_start3A_537 = tpu.memref_slice %arg4[%add3A_533, %dma_start3A_536] : memref<100x100xi32, #tpu.memory_space<vmem>> -> memref<1x100xi32, #tpu.memory_space<vmem>>
      %dma_start3A_538 = tpu.memref_squeeze %dma_start3A_537 : memref<1x100xi32, #tpu.memory_space<vmem>> -> memref<100xi32, #tpu.memory_space<vmem>>
      %dma_start3A_539 = arith.constant 0 : i32
      %dma_start3A_540 = tpu.memref_slice %arg7[%dma_start3A_539] : memref<10240xf32, #tpu.memory_space<vmem_shared>> -> memref<10240xf32, #tpu.memory_space<vmem_shared>>
      tpu.enqueue_indirect_dma source(%dma_start3A_535 : memref<100xf32, #tpu.memory_space<vmem>>) target(%dma_start3A_540 : memref<10240xf32, #tpu.memory_space<vmem_shared>>) offsets(%dma_start3A_538 : memref<100xi32, #tpu.memory_space<vmem>>) semaphore(%arg8 : memref<!tpu.dma_semaphore, #tpu.memory_space<semaphore_mem>>) {add = true}
      %mul3A_541 = arith.constant 25 : i32
      %mul3A_542 = arith.muli %scan3A_309, %mul3A_541 : i32
      %add3A_543 = arith.constant 21 : i32
      %add3A_544 = arith.addi %mul3A_542, %add3A_543 : i32
      %dma_start3A_545 = arith.constant 0 : i32
      %dma_start3A_546 = tpu.memref_slice %arg5[%dma_start3A_545] : memref<112xf32, #tpu.memory_space<vmem>> -> memref<100xf32, #tpu.memory_space<vmem>>
      %dma_start3A_547 = arith.constant 0 : i32
      %dma_start3A_548 = tpu.memref_slice %arg4[%add3A_544, %dma_start3A_547] : memref<100x100xi32, #tpu.memory_space<vmem>> -> memref<1x100xi32, #tpu.memory_space<vmem>>
      %dma_start3A_549 = tpu.memref_squeeze %dma_start3A_548 : memref<1x100xi32, #tpu.memory_space<vmem>> -> memref<100xi32, #tpu.memory_space<vmem>>
      %dma_start3A_550 = arith.constant 0 : i32
      %dma_start3A_551 = tpu.memref_slice %arg7[%dma_start3A_550] : memref<10240xf32, #tpu.memory_space<vmem_shared>> -> memref<10240xf32, #tpu.memory_space<vmem_shared>>
      tpu.enqueue_indirect_dma source(%dma_start3A_546 : memref<100xf32, #tpu.memory_space<vmem>>) target(%dma_start3A_551 : memref<10240xf32, #tpu.memory_space<vmem_shared>>) offsets(%dma_start3A_549 : memref<100xi32, #tpu.memory_space<vmem>>) semaphore(%arg8 : memref<!tpu.dma_semaphore, #tpu.memory_space<semaphore_mem>>) {add = true}
      %mul3A_552 = arith.constant 25 : i32
      %mul3A_553 = arith.muli %scan3A_309, %mul3A_552 : i32
      %add3A_554 = arith.constant 22 : i32
      %add3A_555 = arith.addi %mul3A_553, %add3A_554 : i32
      %dma_start3A_556 = arith.constant 0 : i32
      %dma_start3A_557 = tpu.memref_slice %arg5[%dma_start3A_556] : memref<112xf32, #tpu.memory_space<vmem>> -> memref<100xf32, #tpu.memory_space<vmem>>
      %dma_start3A_558 = arith.constant 0 : i32
      %dma_start3A_559 = tpu.memref_slice %arg4[%add3A_555, %dma_start3A_558] : memref<100x100xi32, #tpu.memory_space<vmem>> -> memref<1x100xi32, #tpu.memory_space<vmem>>
      %dma_start3A_560 = tpu.memref_squeeze %dma_start3A_559 : memref<1x100xi32, #tpu.memory_space<vmem>> -> memref<100xi32, #tpu.memory_space<vmem>>
      %dma_start3A_561 = arith.constant 0 : i32
      %dma_start3A_562 = tpu.memref_slice %arg7[%dma_start3A_561] : memref<10240xf32, #tpu.memory_space<vmem_shared>> -> memref<10240xf32, #tpu.memory_space<vmem_shared>>
      tpu.enqueue_indirect_dma source(%dma_start3A_557 : memref<100xf32, #tpu.memory_space<vmem>>) target(%dma_start3A_562 : memref<10240xf32, #tpu.memory_space<vmem_shared>>) offsets(%dma_start3A_560 : memref<100xi32, #tpu.memory_space<vmem>>) semaphore(%arg8 : memref<!tpu.dma_semaphore, #tpu.memory_space<semaphore_mem>>) {add = true}
      %mul3A_563 = arith.constant 25 : i32
      %mul3A_564 = arith.muli %scan3A_309, %mul3A_563 : i32
      %add3A_565 = arith.constant 23 : i32
      %add3A_566 = arith.addi %mul3A_564, %add3A_565 : i32
      %dma_start3A_567 = arith.constant 0 : i32
      %dma_start3A_568 = tpu.memref_slice %arg5[%dma_start3A_567] : memref<112xf32, #tpu.memory_space<vmem>> -> memref<100xf32, #tpu.memory_space<vmem>>
      %dma_start3A_569 = arith.constant 0 : i32
      %dma_start3A_570 = tpu.memref_slice %arg4[%add3A_566, %dma_start3A_569] : memref<100x100xi32, #tpu.memory_space<vmem>> -> memref<1x100xi32, #tpu.memory_space<vmem>>
      %dma_start3A_571 = tpu.memref_squeeze %dma_start3A_570 : memref<1x100xi32, #tpu.memory_space<vmem>> -> memref<100xi32, #tpu.memory_space<vmem>>
      %dma_start3A_572 = arith.constant 0 : i32
      %dma_start3A_573 = tpu.memref_slice %arg7[%dma_start3A_572] : memref<10240xf32, #tpu.memory_space<vmem_shared>> -> memref<10240xf32, #tpu.memory_space<vmem_shared>>
      tpu.enqueue_indirect_dma source(%dma_start3A_568 : memref<100xf32, #tpu.memory_space<vmem>>) target(%dma_start3A_573 : memref<10240xf32, #tpu.memory_space<vmem_shared>>) offsets(%dma_start3A_571 : memref<100xi32, #tpu.memory_space<vmem>>) semaphore(%arg8 : memref<!tpu.dma_semaphore, #tpu.memory_space<semaphore_mem>>) {add = true}
      %mul3A_574 = arith.constant 25 : i32
      %mul3A_575 = arith.muli %scan3A_309, %mul3A_574 : i32
      %add3A_576 = arith.constant 24 : i32
      %add3A_577 = arith.addi %mul3A_575, %add3A_576 : i32
      %dma_start3A_578 = arith.constant 0 : i32
      %dma_start3A_579 = tpu.memref_slice %arg5[%dma_start3A_578] : memref<112xf32, #tpu.memory_space<vmem>> -> memref<100xf32, #tpu.memory_space<vmem>>
      %dma_start3A_580 = arith.constant 0 : i32
      %dma_start3A_581 = tpu.memref_slice %arg4[%add3A_577, %dma_start3A_580] : memref<100x100xi32, #tpu.memory_space<vmem>> -> memref<1x100xi32, #tpu.memory_space<vmem>>
      %dma_start3A_582 = tpu.memref_squeeze %dma_start3A_581 : memref<1x100xi32, #tpu.memory_space<vmem>> -> memref<100xi32, #tpu.memory_space<vmem>>
      %dma_start3A_583 = arith.constant 0 : i32
      %dma_start3A_584 = tpu.memref_slice %arg7[%dma_start3A_583] : memref<10240xf32, #tpu.memory_space<vmem_shared>> -> memref<10240xf32, #tpu.memory_space<vmem_shared>>
      tpu.enqueue_indirect_dma source(%dma_start3A_579 : memref<100xf32, #tpu.memory_space<vmem>>) target(%dma_start3A_584 : memref<10240xf32, #tpu.memory_space<vmem_shared>>) offsets(%dma_start3A_582 : memref<100xi32, #tpu.memory_space<vmem>>) semaphore(%arg8 : memref<!tpu.dma_semaphore, #tpu.memory_space<semaphore_mem>>) {add = true}
      %dma_wait3A_585 = arith.constant 0 : i32
      %dma_wait3A_586 = tpu.memref_slice %arg5[%dma_wait3A_585] : memref<112xf32, #tpu.memory_space<vmem>> -> memref<100xf32, #tpu.memory_space<vmem>>
      %dma_wait3A_587 = arith.constant 0 : i32
      %dma_wait3A_588 = tpu.memref_slice %arg4[%add3A_313, %dma_wait3A_587] : memref<100x100xi32, #tpu.memory_space<vmem>> -> memref<1x100xi32, #tpu.memory_space<vmem>>
      %dma_wait3A_589 = tpu.memref_squeeze %dma_wait3A_588 : memref<1x100xi32, #tpu.memory_space<vmem>> -> memref<100xi32, #tpu.memory_space<vmem>>
      %dma_wait3A_590 = arith.constant 0 : i32
      %dma_wait3A_591 = tpu.memref_slice %arg7[%dma_wait3A_590] : memref<10240xf32, #tpu.memory_space<vmem_shared>> -> memref<10240xf32, #tpu.memory_space<vmem_shared>>
      tpu.wait_indirect_dma semaphore(%arg8 : memref<!tpu.dma_semaphore, #tpu.memory_space<semaphore_mem>>) src(%dma_wait3A_586 : memref<100xf32, #tpu.memory_space<vmem>>) dst(%dma_wait3A_591 : memref<10240xf32, #tpu.memory_space<vmem_shared>>)
      %dma_wait3A_592 = arith.constant 0 : i32
      %dma_wait3A_593 = tpu.memref_slice %arg5[%dma_wait3A_592] : memref<112xf32, #tpu.memory_space<vmem>> -> memref<100xf32, #tpu.memory_space<vmem>>
      %dma_wait3A_594 = arith.constant 0 : i32
      %dma_wait3A_595 = tpu.memref_slice %arg4[%add3A_324, %dma_wait3A_594] : memref<100x100xi32, #tpu.memory_space<vmem>> -> memref<1x100xi32, #tpu.memory_space<vmem>>
      %dma_wait3A_596 = tpu.memref_squeeze %dma_wait3A_595 : memref<1x100xi32, #tpu.memory_space<vmem>> -> memref<100xi32, #tpu.memory_space<vmem>>
      %dma_wait3A_597 = arith.constant 0 : i32
      %dma_wait3A_598 = tpu.memref_slice %arg7[%dma_wait3A_597] : memref<10240xf32, #tpu.memory_space<vmem_shared>> -> memref<10240xf32, #tpu.memory_space<vmem_shared>>
      tpu.wait_indirect_dma semaphore(%arg8 : memref<!tpu.dma_semaphore, #tpu.memory_space<semaphore_mem>>) src(%dma_wait3A_593 : memref<100xf32, #tpu.memory_space<vmem>>) dst(%dma_wait3A_598 : memref<10240xf32, #tpu.memory_space<vmem_shared>>)
      %dma_wait3A_599 = arith.constant 0 : i32
      %dma_wait3A_600 = tpu.memref_slice %arg5[%dma_wait3A_599] : memref<112xf32, #tpu.memory_space<vmem>> -> memref<100xf32, #tpu.memory_space<vmem>>
      %dma_wait3A_601 = arith.constant 0 : i32
      %dma_wait3A_602 = tpu.memref_slice %arg4[%add3A_335, %dma_wait3A_601] : memref<100x100xi32, #tpu.memory_space<vmem>> -> memref<1x100xi32, #tpu.memory_space<vmem>>
      %dma_wait3A_603 = tpu.memref_squeeze %dma_wait3A_602 : memref<1x100xi32, #tpu.memory_space<vmem>> -> memref<100xi32, #tpu.memory_space<vmem>>
      %dma_wait3A_604 = arith.constant 0 : i32
      %dma_wait3A_605 = tpu.memref_slice %arg7[%dma_wait3A_604] : memref<10240xf32, #tpu.memory_space<vmem_shared>> -> memref<10240xf32, #tpu.memory_space<vmem_shared>>
      tpu.wait_indirect_dma semaphore(%arg8 : memref<!tpu.dma_semaphore, #tpu.memory_space<semaphore_mem>>) src(%dma_wait3A_600 : memref<100xf32, #tpu.memory_space<vmem>>) dst(%dma_wait3A_605 : memref<10240xf32, #tpu.memory_space<vmem_shared>>)
      %dma_wait3A_606 = arith.constant 0 : i32
      %dma_wait3A_607 = tpu.memref_slice %arg5[%dma_wait3A_606] : memref<112xf32, #tpu.memory_space<vmem>> -> memref<100xf32, #tpu.memory_space<vmem>>
      %dma_wait3A_608 = arith.constant 0 : i32
      %dma_wait3A_609 = tpu.memref_slice %arg4[%add3A_346, %dma_wait3A_608] : memref<100x100xi32, #tpu.memory_space<vmem>> -> memref<1x100xi32, #tpu.memory_space<vmem>>
      %dma_wait3A_610 = tpu.memref_squeeze %dma_wait3A_609 : memref<1x100xi32, #tpu.memory_space<vmem>> -> memref<100xi32, #tpu.memory_space<vmem>>
      %dma_wait3A_611 = arith.constant 0 : i32
      %dma_wait3A_612 = tpu.memref_slice %arg7[%dma_wait3A_611] : memref<10240xf32, #tpu.memory_space<vmem_shared>> -> memref<10240xf32, #tpu.memory_space<vmem_shared>>
      tpu.wait_indirect_dma semaphore(%arg8 : memref<!tpu.dma_semaphore, #tpu.memory_space<semaphore_mem>>) src(%dma_wait3A_607 : memref<100xf32, #tpu.memory_space<vmem>>) dst(%dma_wait3A_612 : memref<10240xf32, #tpu.memory_space<vmem_shared>>)
      %dma_wait3A_613 = arith.constant 0 : i32
      %dma_wait3A_614 = tpu.memref_slice %arg5[%dma_wait3A_613] : memref<112xf32, #tpu.memory_space<vmem>> -> memref<100xf32, #tpu.memory_space<vmem>>
      %dma_wait3A_615 = arith.constant 0 : i32
      %dma_wait3A_616 = tpu.memref_slice %arg4[%add3A_357, %dma_wait3A_615] : memref<100x100xi32, #tpu.memory_space<vmem>> -> memref<1x100xi32, #tpu.memory_space<vmem>>
      %dma_wait3A_617 = tpu.memref_squeeze %dma_wait3A_616 : memref<1x100xi32, #tpu.memory_space<vmem>> -> memref<100xi32, #tpu.memory_space<vmem>>
      %dma_wait3A_618 = arith.constant 0 : i32
      %dma_wait3A_619 = tpu.memref_slice %arg7[%dma_wait3A_618] : memref<10240xf32, #tpu.memory_space<vmem_shared>> -> memref<10240xf32, #tpu.memory_space<vmem_shared>>
      tpu.wait_indirect_dma semaphore(%arg8 : memref<!tpu.dma_semaphore, #tpu.memory_space<semaphore_mem>>) src(%dma_wait3A_614 : memref<100xf32, #tpu.memory_space<vmem>>) dst(%dma_wait3A_619 : memref<10240xf32, #tpu.memory_space<vmem_shared>>)
      %dma_wait3A_620 = arith.constant 0 : i32
      %dma_wait3A_621 = tpu.memref_slice %arg5[%dma_wait3A_620] : memref<112xf32, #tpu.memory_space<vmem>> -> memref<100xf32, #tpu.memory_space<vmem>>
      %dma_wait3A_622 = arith.constant 0 : i32
      %dma_wait3A_623 = tpu.memref_slice %arg4[%add3A_368, %dma_wait3A_622] : memref<100x100xi32, #tpu.memory_space<vmem>> -> memref<1x100xi32, #tpu.memory_space<vmem>>
      %dma_wait3A_624 = tpu.memref_squeeze %dma_wait3A_623 : memref<1x100xi32, #tpu.memory_space<vmem>> -> memref<100xi32, #tpu.memory_space<vmem>>
      %dma_wait3A_625 = arith.constant 0 : i32
      %dma_wait3A_626 = tpu.memref_slice %arg7[%dma_wait3A_625] : memref<10240xf32, #tpu.memory_space<vmem_shared>> -> memref<10240xf32, #tpu.memory_space<vmem_shared>>
      tpu.wait_indirect_dma semaphore(%arg8 : memref<!tpu.dma_semaphore, #tpu.memory_space<semaphore_mem>>) src(%dma_wait3A_621 : memref<100xf32, #tpu.memory_space<vmem>>) dst(%dma_wait3A_626 : memref<10240xf32, #tpu.memory_space<vmem_shared>>)
      %dma_wait3A_627 = arith.constant 0 : i32
      %dma_wait3A_628 = tpu.memref_slice %arg5[%dma_wait3A_627] : memref<112xf32, #tpu.memory_space<vmem>> -> memref<100xf32, #tpu.memory_space<vmem>>
      %dma_wait3A_629 = arith.constant 0 : i32
      %dma_wait3A_630 = tpu.memref_slice %arg4[%add3A_379, %dma_wait3A_629] : memref<100x100xi32, #tpu.memory_space<vmem>> -> memref<1x100xi32, #tpu.memory_space<vmem>>
      %dma_wait3A_631 = tpu.memref_squeeze %dma_wait3A_630 : memref<1x100xi32, #tpu.memory_space<vmem>> -> memref<100xi32, #tpu.memory_space<vmem>>
      %dma_wait3A_632 = arith.constant 0 : i32
      %dma_wait3A_633 = tpu.memref_slice %arg7[%dma_wait3A_632] : memref<10240xf32, #tpu.memory_space<vmem_shared>> -> memref<10240xf32, #tpu.memory_space<vmem_shared>>
      tpu.wait_indirect_dma semaphore(%arg8 : memref<!tpu.dma_semaphore, #tpu.memory_space<semaphore_mem>>) src(%dma_wait3A_628 : memref<100xf32, #tpu.memory_space<vmem>>) dst(%dma_wait3A_633 : memref<10240xf32, #tpu.memory_space<vmem_shared>>)
      %dma_wait3A_634 = arith.constant 0 : i32
      %dma_wait3A_635 = tpu.memref_slice %arg5[%dma_wait3A_634] : memref<112xf32, #tpu.memory_space<vmem>> -> memref<100xf32, #tpu.memory_space<vmem>>
      %dma_wait3A_636 = arith.constant 0 : i32
      %dma_wait3A_637 = tpu.memref_slice %arg4[%add3A_390, %dma_wait3A_636] : memref<100x100xi32, #tpu.memory_space<vmem>> -> memref<1x100xi32, #tpu.memory_space<vmem>>
      %dma_wait3A_638 = tpu.memref_squeeze %dma_wait3A_637 : memref<1x100xi32, #tpu.memory_space<vmem>> -> memref<100xi32, #tpu.memory_space<vmem>>
      %dma_wait3A_639 = arith.constant 0 : i32
      %dma_wait3A_640 = tpu.memref_slice %arg7[%dma_wait3A_639] : memref<10240xf32, #tpu.memory_space<vmem_shared>> -> memref<10240xf32, #tpu.memory_space<vmem_shared>>
      tpu.wait_indirect_dma semaphore(%arg8 : memref<!tpu.dma_semaphore, #tpu.memory_space<semaphore_mem>>) src(%dma_wait3A_635 : memref<100xf32, #tpu.memory_space<vmem>>) dst(%dma_wait3A_640 : memref<10240xf32, #tpu.memory_space<vmem_shared>>)
      %dma_wait3A_641 = arith.constant 0 : i32
      %dma_wait3A_642 = tpu.memref_slice %arg5[%dma_wait3A_641] : memref<112xf32, #tpu.memory_space<vmem>> -> memref<100xf32, #tpu.memory_space<vmem>>
      %dma_wait3A_643 = arith.constant 0 : i32
      %dma_wait3A_644 = tpu.memref_slice %arg4[%add3A_401, %dma_wait3A_643] : memref<100x100xi32, #tpu.memory_space<vmem>> -> memref<1x100xi32, #tpu.memory_space<vmem>>
      %dma_wait3A_645 = tpu.memref_squeeze %dma_wait3A_644 : memref<1x100xi32, #tpu.memory_space<vmem>> -> memref<100xi32, #tpu.memory_space<vmem>>
      %dma_wait3A_646 = arith.constant 0 : i32
      %dma_wait3A_647 = tpu.memref_slice %arg7[%dma_wait3A_646] : memref<10240xf32, #tpu.memory_space<vmem_shared>> -> memref<10240xf32, #tpu.memory_space<vmem_shared>>
      tpu.wait_indirect_dma semaphore(%arg8 : memref<!tpu.dma_semaphore, #tpu.memory_space<semaphore_mem>>) src(%dma_wait3A_642 : memref<100xf32, #tpu.memory_space<vmem>>) dst(%dma_wait3A_647 : memref<10240xf32, #tpu.memory_space<vmem_shared>>)
      %dma_wait3A_648 = arith.constant 0 : i32
      %dma_wait3A_649 = tpu.memref_slice %arg5[%dma_wait3A_648] : memref<112xf32, #tpu.memory_space<vmem>> -> memref<100xf32, #tpu.memory_space<vmem>>
      %dma_wait3A_650 = arith.constant 0 : i32
      %dma_wait3A_651 = tpu.memref_slice %arg4[%add3A_412, %dma_wait3A_650] : memref<100x100xi32, #tpu.memory_space<vmem>> -> memref<1x100xi32, #tpu.memory_space<vmem>>
      %dma_wait3A_652 = tpu.memref_squeeze %dma_wait3A_651 : memref<1x100xi32, #tpu.memory_space<vmem>> -> memref<100xi32, #tpu.memory_space<vmem>>
      %dma_wait3A_653 = arith.constant 0 : i32
      %dma_wait3A_654 = tpu.memref_slice %arg7[%dma_wait3A_653] : memref<10240xf32, #tpu.memory_space<vmem_shared>> -> memref<10240xf32, #tpu.memory_space<vmem_shared>>
      tpu.wait_indirect_dma semaphore(%arg8 : memref<!tpu.dma_semaphore, #tpu.memory_space<semaphore_mem>>) src(%dma_wait3A_649 : memref<100xf32, #tpu.memory_space<vmem>>) dst(%dma_wait3A_654 : memref<10240xf32, #tpu.memory_space<vmem_shared>>)
      %dma_wait3A_655 = arith.constant 0 : i32
      %dma_wait3A_656 = tpu.memref_slice %arg5[%dma_wait3A_655] : memref<112xf32, #tpu.memory_space<vmem>> -> memref<100xf32, #tpu.memory_space<vmem>>
      %dma_wait3A_657 = arith.constant 0 : i32
      %dma_wait3A_658 = tpu.memref_slice %arg4[%add3A_423, %dma_wait3A_657] : memref<100x100xi32, #tpu.memory_space<vmem>> -> memref<1x100xi32, #tpu.memory_space<vmem>>
      %dma_wait3A_659 = tpu.memref_squeeze %dma_wait3A_658 : memref<1x100xi32, #tpu.memory_space<vmem>> -> memref<100xi32, #tpu.memory_space<vmem>>
      %dma_wait3A_660 = arith.constant 0 : i32
      %dma_wait3A_661 = tpu.memref_slice %arg7[%dma_wait3A_660] : memref<10240xf32, #tpu.memory_space<vmem_shared>> -> memref<10240xf32, #tpu.memory_space<vmem_shared>>
      tpu.wait_indirect_dma semaphore(%arg8 : memref<!tpu.dma_semaphore, #tpu.memory_space<semaphore_mem>>) src(%dma_wait3A_656 : memref<100xf32, #tpu.memory_space<vmem>>) dst(%dma_wait3A_661 : memref<10240xf32, #tpu.memory_space<vmem_shared>>)
      %dma_wait3A_662 = arith.constant 0 : i32
      %dma_wait3A_663 = tpu.memref_slice %arg5[%dma_wait3A_662] : memref<112xf32, #tpu.memory_space<vmem>> -> memref<100xf32, #tpu.memory_space<vmem>>
      %dma_wait3A_664 = arith.constant 0 : i32
      %dma_wait3A_665 = tpu.memref_slice %arg4[%add3A_434, %dma_wait3A_664] : memref<100x100xi32, #tpu.memory_space<vmem>> -> memref<1x100xi32, #tpu.memory_space<vmem>>
      %dma_wait3A_666 = tpu.memref_squeeze %dma_wait3A_665 : memref<1x100xi32, #tpu.memory_space<vmem>> -> memref<100xi32, #tpu.memory_space<vmem>>
      %dma_wait3A_667 = arith.constant 0 : i32
      %dma_wait3A_668 = tpu.memref_slice %arg7[%dma_wait3A_667] : memref<10240xf32, #tpu.memory_space<vmem_shared>> -> memref<10240xf32, #tpu.memory_space<vmem_shared>>
      tpu.wait_indirect_dma semaphore(%arg8 : memref<!tpu.dma_semaphore, #tpu.memory_space<semaphore_mem>>) src(%dma_wait3A_663 : memref<100xf32, #tpu.memory_space<vmem>>) dst(%dma_wait3A_668 : memref<10240xf32, #tpu.memory_space<vmem_shared>>)
      %dma_wait3A_669 = arith.constant 0 : i32
      %dma_wait3A_670 = tpu.memref_slice %arg5[%dma_wait3A_669] : memref<112xf32, #tpu.memory_space<vmem>> -> memref<100xf32, #tpu.memory_space<vmem>>
      %dma_wait3A_671 = arith.constant 0 : i32
      %dma_wait3A_672 = tpu.memref_slice %arg4[%add3A_445, %dma_wait3A_671] : memref<100x100xi32, #tpu.memory_space<vmem>> -> memref<1x100xi32, #tpu.memory_space<vmem>>
      %dma_wait3A_673 = tpu.memref_squeeze %dma_wait3A_672 : memref<1x100xi32, #tpu.memory_space<vmem>> -> memref<100xi32, #tpu.memory_space<vmem>>
      %dma_wait3A_674 = arith.constant 0 : i32
      %dma_wait3A_675 = tpu.memref_slice %arg7[%dma_wait3A_674] : memref<10240xf32, #tpu.memory_space<vmem_shared>> -> memref<10240xf32, #tpu.memory_space<vmem_shared>>
      tpu.wait_indirect_dma semaphore(%arg8 : memref<!tpu.dma_semaphore, #tpu.memory_space<semaphore_mem>>) src(%dma_wait3A_670 : memref<100xf32, #tpu.memory_space<vmem>>) dst(%dma_wait3A_675 : memref<10240xf32, #tpu.memory_space<vmem_shared>>)
      %dma_wait3A_676 = arith.constant 0 : i32
      %dma_wait3A_677 = tpu.memref_slice %arg5[%dma_wait3A_676] : memref<112xf32, #tpu.memory_space<vmem>> -> memref<100xf32, #tpu.memory_space<vmem>>
      %dma_wait3A_678 = arith.constant 0 : i32
      %dma_wait3A_679 = tpu.memref_slice %arg4[%add3A_456, %dma_wait3A_678] : memref<100x100xi32, #tpu.memory_space<vmem>> -> memref<1x100xi32, #tpu.memory_space<vmem>>
      %dma_wait3A_680 = tpu.memref_squeeze %dma_wait3A_679 : memref<1x100xi32, #tpu.memory_space<vmem>> -> memref<100xi32, #tpu.memory_space<vmem>>
      %dma_wait3A_681 = arith.constant 0 : i32
      %dma_wait3A_682 = tpu.memref_slice %arg7[%dma_wait3A_681] : memref<10240xf32, #tpu.memory_space<vmem_shared>> -> memref<10240xf32, #tpu.memory_space<vmem_shared>>
      tpu.wait_indirect_dma semaphore(%arg8 : memref<!tpu.dma_semaphore, #tpu.memory_space<semaphore_mem>>) src(%dma_wait3A_677 : memref<100xf32, #tpu.memory_space<vmem>>) dst(%dma_wait3A_682 : memref<10240xf32, #tpu.memory_space<vmem_shared>>)
      %dma_wait3A_683 = arith.constant 0 : i32
      %dma_wait3A_684 = tpu.memref_slice %arg5[%dma_wait3A_683] : memref<112xf32, #tpu.memory_space<vmem>> -> memref<100xf32, #tpu.memory_space<vmem>>
      %dma_wait3A_685 = arith.constant 0 : i32
      %dma_wait3A_686 = tpu.memref_slice %arg4[%add3A_467, %dma_wait3A_685] : memref<100x100xi32, #tpu.memory_space<vmem>> -> memref<1x100xi32, #tpu.memory_space<vmem>>
      %dma_wait3A_687 = tpu.memref_squeeze %dma_wait3A_686 : memref<1x100xi32, #tpu.memory_space<vmem>> -> memref<100xi32, #tpu.memory_space<vmem>>
      %dma_wait3A_688 = arith.constant 0 : i32
      %dma_wait3A_689 = tpu.memref_slice %arg7[%dma_wait3A_688] : memref<10240xf32, #tpu.memory_space<vmem_shared>> -> memref<10240xf32, #tpu.memory_space<vmem_shared>>
      tpu.wait_indirect_dma semaphore(%arg8 : memref<!tpu.dma_semaphore, #tpu.memory_space<semaphore_mem>>) src(%dma_wait3A_684 : memref<100xf32, #tpu.memory_space<vmem>>) dst(%dma_wait3A_689 : memref<10240xf32, #tpu.memory_space<vmem_shared>>)
      %dma_wait3A_690 = arith.constant 0 : i32
      %dma_wait3A_691 = tpu.memref_slice %arg5[%dma_wait3A_690] : memref<112xf32, #tpu.memory_space<vmem>> -> memref<100xf32, #tpu.memory_space<vmem>>
      %dma_wait3A_692 = arith.constant 0 : i32
      %dma_wait3A_693 = tpu.memref_slice %arg4[%add3A_478, %dma_wait3A_692] : memref<100x100xi32, #tpu.memory_space<vmem>> -> memref<1x100xi32, #tpu.memory_space<vmem>>
      %dma_wait3A_694 = tpu.memref_squeeze %dma_wait3A_693 : memref<1x100xi32, #tpu.memory_space<vmem>> -> memref<100xi32, #tpu.memory_space<vmem>>
      %dma_wait3A_695 = arith.constant 0 : i32
      %dma_wait3A_696 = tpu.memref_slice %arg7[%dma_wait3A_695] : memref<10240xf32, #tpu.memory_space<vmem_shared>> -> memref<10240xf32, #tpu.memory_space<vmem_shared>>
      tpu.wait_indirect_dma semaphore(%arg8 : memref<!tpu.dma_semaphore, #tpu.memory_space<semaphore_mem>>) src(%dma_wait3A_691 : memref<100xf32, #tpu.memory_space<vmem>>) dst(%dma_wait3A_696 : memref<10240xf32, #tpu.memory_space<vmem_shared>>)
      %dma_wait3A_697 = arith.constant 0 : i32
      %dma_wait3A_698 = tpu.memref_slice %arg5[%dma_wait3A_697] : memref<112xf32, #tpu.memory_space<vmem>> -> memref<100xf32, #tpu.memory_space<vmem>>
      %dma_wait3A_699 = arith.constant 0 : i32
      %dma_wait3A_700 = tpu.memref_slice %arg4[%add3A_489, %dma_wait3A_699] : memref<100x100xi32, #tpu.memory_space<vmem>> -> memref<1x100xi32, #tpu.memory_space<vmem>>
      %dma_wait3A_701 = tpu.memref_squeeze %dma_wait3A_700 : memref<1x100xi32, #tpu.memory_space<vmem>> -> memref<100xi32, #tpu.memory_space<vmem>>
      %dma_wait3A_702 = arith.constant 0 : i32
      %dma_wait3A_703 = tpu.memref_slice %arg7[%dma_wait3A_702] : memref<10240xf32, #tpu.memory_space<vmem_shared>> -> memref<10240xf32, #tpu.memory_space<vmem_shared>>
      tpu.wait_indirect_dma semaphore(%arg8 : memref<!tpu.dma_semaphore, #tpu.memory_space<semaphore_mem>>) src(%dma_wait3A_698 : memref<100xf32, #tpu.memory_space<vmem>>) dst(%dma_wait3A_703 : memref<10240xf32, #tpu.memory_space<vmem_shared>>)
      %dma_wait3A_704 = arith.constant 0 : i32
      %dma_wait3A_705 = tpu.memref_slice %arg5[%dma_wait3A_704] : memref<112xf32, #tpu.memory_space<vmem>> -> memref<100xf32, #tpu.memory_space<vmem>>
      %dma_wait3A_706 = arith.constant 0 : i32
      %dma_wait3A_707 = tpu.memref_slice %arg4[%add3A_500, %dma_wait3A_706] : memref<100x100xi32, #tpu.memory_space<vmem>> -> memref<1x100xi32, #tpu.memory_space<vmem>>
      %dma_wait3A_708 = tpu.memref_squeeze %dma_wait3A_707 : memref<1x100xi32, #tpu.memory_space<vmem>> -> memref<100xi32, #tpu.memory_space<vmem>>
      %dma_wait3A_709 = arith.constant 0 : i32
      %dma_wait3A_710 = tpu.memref_slice %arg7[%dma_wait3A_709] : memref<10240xf32, #tpu.memory_space<vmem_shared>> -> memref<10240xf32, #tpu.memory_space<vmem_shared>>
      tpu.wait_indirect_dma semaphore(%arg8 : memref<!tpu.dma_semaphore, #tpu.memory_space<semaphore_mem>>) src(%dma_wait3A_705 : memref<100xf32, #tpu.memory_space<vmem>>) dst(%dma_wait3A_710 : memref<10240xf32, #tpu.memory_space<vmem_shared>>)
      %dma_wait3A_711 = arith.constant 0 : i32
      %dma_wait3A_712 = tpu.memref_slice %arg5[%dma_wait3A_711] : memref<112xf32, #tpu.memory_space<vmem>> -> memref<100xf32, #tpu.memory_space<vmem>>
      %dma_wait3A_713 = arith.constant 0 : i32
      %dma_wait3A_714 = tpu.memref_slice %arg4[%add3A_511, %dma_wait3A_713] : memref<100x100xi32, #tpu.memory_space<vmem>> -> memref<1x100xi32, #tpu.memory_space<vmem>>
      %dma_wait3A_715 = tpu.memref_squeeze %dma_wait3A_714 : memref<1x100xi32, #tpu.memory_space<vmem>> -> memref<100xi32, #tpu.memory_space<vmem>>
      %dma_wait3A_716 = arith.constant 0 : i32
      %dma_wait3A_717 = tpu.memref_slice %arg7[%dma_wait3A_716] : memref<10240xf32, #tpu.memory_space<vmem_shared>> -> memref<10240xf32, #tpu.memory_space<vmem_shared>>
      tpu.wait_indirect_dma semaphore(%arg8 : memref<!tpu.dma_semaphore, #tpu.memory_space<semaphore_mem>>) src(%dma_wait3A_712 : memref<100xf32, #tpu.memory_space<vmem>>) dst(%dma_wait3A_717 : memref<10240xf32, #tpu.memory_space<vmem_shared>>)
      %dma_wait3A_718 = arith.constant 0 : i32
      %dma_wait3A_719 = tpu.memref_slice %arg5[%dma_wait3A_718] : memref<112xf32, #tpu.memory_space<vmem>> -> memref<100xf32, #tpu.memory_space<vmem>>
      %dma_wait3A_720 = arith.constant 0 : i32
      %dma_wait3A_721 = tpu.memref_slice %arg4[%add3A_522, %dma_wait3A_720] : memref<100x100xi32, #tpu.memory_space<vmem>> -> memref<1x100xi32, #tpu.memory_space<vmem>>
      %dma_wait3A_722 = tpu.memref_squeeze %dma_wait3A_721 : memref<1x100xi32, #tpu.memory_space<vmem>> -> memref<100xi32, #tpu.memory_space<vmem>>
      %dma_wait3A_723 = arith.constant 0 : i32
      %dma_wait3A_724 = tpu.memref_slice %arg7[%dma_wait3A_723] : memref<10240xf32, #tpu.memory_space<vmem_shared>> -> memref<10240xf32, #tpu.memory_space<vmem_shared>>
      tpu.wait_indirect_dma semaphore(%arg8 : memref<!tpu.dma_semaphore, #tpu.memory_space<semaphore_mem>>) src(%dma_wait3A_719 : memref<100xf32, #tpu.memory_space<vmem>>) dst(%dma_wait3A_724 : memref<10240xf32, #tpu.memory_space<vmem_shared>>)
      %dma_wait3A_725 = arith.constant 0 : i32
      %dma_wait3A_726 = tpu.memref_slice %arg5[%dma_wait3A_725] : memref<112xf32, #tpu.memory_space<vmem>> -> memref<100xf32, #tpu.memory_space<vmem>>
      %dma_wait3A_727 = arith.constant 0 : i32
      %dma_wait3A_728 = tpu.memref_slice %arg4[%add3A_533, %dma_wait3A_727] : memref<100x100xi32, #tpu.memory_space<vmem>> -> memref<1x100xi32, #tpu.memory_space<vmem>>
      %dma_wait3A_729 = tpu.memref_squeeze %dma_wait3A_728 : memref<1x100xi32, #tpu.memory_space<vmem>> -> memref<100xi32, #tpu.memory_space<vmem>>
      %dma_wait3A_730 = arith.constant 0 : i32
      %dma_wait3A_731 = tpu.memref_slice %arg7[%dma_wait3A_730] : memref<10240xf32, #tpu.memory_space<vmem_shared>> -> memref<10240xf32, #tpu.memory_space<vmem_shared>>
      tpu.wait_indirect_dma semaphore(%arg8 : memref<!tpu.dma_semaphore, #tpu.memory_space<semaphore_mem>>) src(%dma_wait3A_726 : memref<100xf32, #tpu.memory_space<vmem>>) dst(%dma_wait3A_731 : memref<10240xf32, #tpu.memory_space<vmem_shared>>)
      %dma_wait3A_732 = arith.constant 0 : i32
      %dma_wait3A_733 = tpu.memref_slice %arg5[%dma_wait3A_732] : memref<112xf32, #tpu.memory_space<vmem>> -> memref<100xf32, #tpu.memory_space<vmem>>
      %dma_wait3A_734 = arith.constant 0 : i32
      %dma_wait3A_735 = tpu.memref_slice %arg4[%add3A_544, %dma_wait3A_734] : memref<100x100xi32, #tpu.memory_space<vmem>> -> memref<1x100xi32, #tpu.memory_space<vmem>>
      %dma_wait3A_736 = tpu.memref_squeeze %dma_wait3A_735 : memref<1x100xi32, #tpu.memory_space<vmem>> -> memref<100xi32, #tpu.memory_space<vmem>>
      %dma_wait3A_737 = arith.constant 0 : i32
      %dma_wait3A_738 = tpu.memref_slice %arg7[%dma_wait3A_737] : memref<10240xf32, #tpu.memory_space<vmem_shared>> -> memref<10240xf32, #tpu.memory_space<vmem_shared>>
      tpu.wait_indirect_dma semaphore(%arg8 : memref<!tpu.dma_semaphore, #tpu.memory_space<semaphore_mem>>) src(%dma_wait3A_733 : memref<100xf32, #tpu.memory_space<vmem>>) dst(%dma_wait3A_738 : memref<10240xf32, #tpu.memory_space<vmem_shared>>)
      %dma_wait3A_739 = arith.constant 0 : i32
      %dma_wait3A_740 = tpu.memref_slice %arg5[%dma_wait3A_739] : memref<112xf32, #tpu.memory_space<vmem>> -> memref<100xf32, #tpu.memory_space<vmem>>
      %dma_wait3A_741 = arith.constant 0 : i32
      %dma_wait3A_742 = tpu.memref_slice %arg4[%add3A_555, %dma_wait3A_741] : memref<100x100xi32, #tpu.memory_space<vmem>> -> memref<1x100xi32, #tpu.memory_space<vmem>>
      %dma_wait3A_743 = tpu.memref_squeeze %dma_wait3A_742 : memref<1x100xi32, #tpu.memory_space<vmem>> -> memref<100xi32, #tpu.memory_space<vmem>>
      %dma_wait3A_744 = arith.constant 0 : i32
      %dma_wait3A_745 = tpu.memref_slice %arg7[%dma_wait3A_744] : memref<10240xf32, #tpu.memory_space<vmem_shared>> -> memref<10240xf32, #tpu.memory_space<vmem_shared>>
      tpu.wait_indirect_dma semaphore(%arg8 : memref<!tpu.dma_semaphore, #tpu.memory_space<semaphore_mem>>) src(%dma_wait3A_740 : memref<100xf32, #tpu.memory_space<vmem>>) dst(%dma_wait3A_745 : memref<10240xf32, #tpu.memory_space<vmem_shared>>)
      %dma_wait3A_746 = arith.constant 0 : i32
      %dma_wait3A_747 = tpu.memref_slice %arg5[%dma_wait3A_746] : memref<112xf32, #tpu.memory_space<vmem>> -> memref<100xf32, #tpu.memory_space<vmem>>
      %dma_wait3A_748 = arith.constant 0 : i32
      %dma_wait3A_749 = tpu.memref_slice %arg4[%add3A_566, %dma_wait3A_748] : memref<100x100xi32, #tpu.memory_space<vmem>> -> memref<1x100xi32, #tpu.memory_space<vmem>>
      %dma_wait3A_750 = tpu.memref_squeeze %dma_wait3A_749 : memref<1x100xi32, #tpu.memory_space<vmem>> -> memref<100xi32, #tpu.memory_space<vmem>>
      %dma_wait3A_751 = arith.constant 0 : i32
      %dma_wait3A_752 = tpu.memref_slice %arg7[%dma_wait3A_751] : memref<10240xf32, #tpu.memory_space<vmem_shared>> -> memref<10240xf32, #tpu.memory_space<vmem_shared>>
      tpu.wait_indirect_dma semaphore(%arg8 : memref<!tpu.dma_semaphore, #tpu.memory_space<semaphore_mem>>) src(%dma_wait3A_747 : memref<100xf32, #tpu.memory_space<vmem>>) dst(%dma_wait3A_752 : memref<10240xf32, #tpu.memory_space<vmem_shared>>)
      %dma_wait3A_753 = arith.constant 0 : i32
      %dma_wait3A_754 = tpu.memref_slice %arg5[%dma_wait3A_753] : memref<112xf32, #tpu.memory_space<vmem>> -> memref<100xf32, #tpu.memory_space<vmem>>
      %dma_wait3A_755 = arith.constant 0 : i32
      %dma_wait3A_756 = tpu.memref_slice %arg4[%add3A_577, %dma_wait3A_755] : memref<100x100xi32, #tpu.memory_space<vmem>> -> memref<1x100xi32, #tpu.memory_space<vmem>>
      %dma_wait3A_757 = tpu.memref_squeeze %dma_wait3A_756 : memref<1x100xi32, #tpu.memory_space<vmem>> -> memref<100xi32, #tpu.memory_space<vmem>>
      %dma_wait3A_758 = arith.constant 0 : i32
      %dma_wait3A_759 = tpu.memref_slice %arg7[%dma_wait3A_758] : memref<10240xf32, #tpu.memory_space<vmem_shared>> -> memref<10240xf32, #tpu.memory_space<vmem_shared>>
      tpu.wait_indirect_dma semaphore(%arg8 : memref<!tpu.dma_semaphore, #tpu.memory_space<semaphore_mem>>) src(%dma_wait3A_754 : memref<100xf32, #tpu.memory_space<vmem>>) dst(%dma_wait3A_759 : memref<10240xf32, #tpu.memory_space<vmem_shared>>)
    }
    %scan3A_303 = arith.constant 4 : i32
    %barrier3A_304 = arith.constant 0 : index
    tpu.barrier barrier_id(%barrier3A_304)
    %mul3A_305 = arith.constant 640 : i32
    %mul3A_306 = arith.muli %arg1, %mul3A_305 : i32
    %mul3A_307 = arith.constant 640 : i32
    %mul3A_308 = arith.muli %arg1, %mul3A_307 : i32
    "tpu.region"() ({
      %run_scoped3A = tpu.sem_alloc : memref<!tpu.dma_semaphore, #tpu.memory_space<semaphore_mem>>
      %dma_start3A_309 = tpu.memref_slice %arg3[%arg0, %mul3A_308] : memref<2x10240xf32, #tpu.memory_space<hbm>> -> memref<1x640xf32, #tpu.memory_space<hbm>>
      %dma_start3A_310 = tpu.memref_squeeze %dma_start3A_309 : memref<1x640xf32, #tpu.memory_space<hbm>> -> memref<640xf32, #tpu.memory_space<hbm>>
      %dma_start3A_311 = tpu.memref_slice %arg7[%mul3A_306] : memref<10240xf32, #tpu.memory_space<vmem_shared>> -> memref<640xf32, #tpu.memory_space<vmem_shared>>
      tpu.enqueue_dma source(%dma_start3A_311 : memref<640xf32, #tpu.memory_space<vmem_shared>>) target(%dma_start3A_310 : memref<640xf32, #tpu.memory_space<hbm>>) target_semaphore(%run_scoped3A : memref<!tpu.dma_semaphore, #tpu.memory_space<semaphore_mem>>)
      %dma_wait3A_312 = tpu.memref_slice %arg3[%arg0, %mul3A_308] : memref<2x10240xf32, #tpu.memory_space<hbm>> -> memref<1x640xf32, #tpu.memory_space<hbm>>
      %dma_wait3A_313 = tpu.memref_squeeze %dma_wait3A_312 : memref<1x640xf32, #tpu.memory_space<hbm>> -> memref<640xf32, #tpu.memory_space<hbm>>
      %dma_wait3A_314 = tpu.memref_slice %arg7[%mul3A_306] : memref<10240xf32, #tpu.memory_space<vmem_shared>> -> memref<640xf32, #tpu.memory_space<vmem_shared>>
      tpu.wait_dma2 semaphore(%run_scoped3A : memref<!tpu.dma_semaphore, #tpu.memory_space<semaphore_mem>>) src(%dma_wait3A_314 : memref<640xf32, #tpu.memory_space<vmem_shared>>) dst(%dma_wait3A_313 : memref<640xf32, #tpu.memory_space<hbm>>)
      tpu.yield
    }) : () -> ()
    return
  }
}

module attributes {stable_mosaic.version = 14 : i64} {
  func.func @_scale_matmul_body(%arg0: i32, %arg1: memref<2x2048xf32, #tpu.memory_space<vmem>>, %arg2: memref<2048x128xf32, #tpu.memory_space<vmem>>, %arg3: memref<128x128xf32, #tpu.memory_space<vmem>>, %arg4: memref<1x128xf32, #tpu.memory_space<vmem>>, %arg5: memref<2048x128xf32, #tpu.memory_space<vmem>>) attributes {dimension_semantics = [#tpu.dimension_semantics<arbitrary>], iteration_bounds = array<i64: 5>, scalar_prefetch = 0 : i64, scratch_operands = 0 : i64, tpu.core_type = #tpu.core_type<tc>, window_params = [{transform_indices = @transform_0, window_bounds = array<i64: 2, 2048>}, {transform_indices = @transform_1, window_bounds = array<i64: 2048, 128>}, {pipeline_mode = #tpu.pipeline_mode<synchronous>, transform_indices = @transform_2, window_bounds = array<i64: 128, 128>}, {pipeline_mode = #tpu.pipeline_mode<synchronous>, transform_indices = @transform_3, window_bounds = array<i64: 1, 128>}, {transform_indices = @transform_4, window_bounds = array<i64: 2048, 128>}]} {
    %get3A = arith.constant 0 : index
    %get3A_0 = arith.constant 0 : index
    %get3A_1 = vector.load %arg2[%get3A, %get3A_0] : memref<2048x128xf32, #tpu.memory_space<vmem>>, vector<2048x128xf32>
    %get3A_2 = arith.constant 0 : index
    %get3A_3 = arith.constant 0 : index
    %get3A_4 = vector.load %arg3[%get3A_2, %get3A_3] : memref<128x128xf32, #tpu.memory_space<vmem>>, vector<128x128xf32>
    %dot_general3A = arith.constant dense<0.000000e+00> : vector<2048x128xf32>
    %dot_general3A_5 = tpu.matmul %get3A_1, %get3A_4, %dot_general3A {dimension_numbers = #tpu.dot_dimension_numbers<[1], [1], [0], [0], [0, 0, 1, 0], [], []>, transpose_lhs_hint = false} : vector<2048x128xf32>, vector<128x128xf32>, vector<2048x128xf32> -> vector<2048x128xf32>
    %get3A_6 = arith.constant 0 : index
    %get3A_7 = arith.constant 0 : index
    %get3A_8 = vector.load %arg4[%get3A_6, %get3A_7] : memref<1x128xf32, #tpu.memory_space<vmem>>, vector<1x128xf32>
    %add3A = vector.broadcast %get3A_8 : vector<1x128xf32> to vector<2048x128xf32>
    %add3A_9 = arith.addf %dot_general3A_5, %add3A : vector<2048x128xf32>
    %get3A_10 = arith.constant 0 : index
    %get3A_11 = arith.constant 0 : index
    %get3A_12 = vector.load %arg1[%get3A_10, %get3A_11] : memref<2x2048xf32, #tpu.memory_space<vmem>>, vector<2x2048xf32>
    %broadcast_in_dim3A = arith.constant 1.000000e+00 : f32
    %broadcast_in_dim3A_13 = vector.broadcast %broadcast_in_dim3A : f32 to vector<2x1xf32>
    %dot_general3A_14 = arith.constant dense<0.000000e+00> : vector<2048x1xf32>
    %dot_general3A_15 = tpu.matmul %get3A_12, %broadcast_in_dim3A_13, %dot_general3A_14 {dimension_numbers = #tpu.dot_dimension_numbers<[0], [0], [1], [1], [0, 1, 1, 1], [], []>, transpose_lhs_hint = false} : vector<2x2048xf32>, vector<2x1xf32>, vector<2048x1xf32> -> vector<2048x1xf32>
    %mul3A = vector.broadcast %dot_general3A_15 : vector<2048x1xf32> to vector<2048x128xf32>
    %mul3A_16 = arith.mulf %add3A_9, %mul3A : vector<2048x128xf32>
    %swap3A = arith.constant 0 : index
    %swap3A_17 = arith.constant 0 : index
    %swap3A_18 = vector.load %arg5[%swap3A, %swap3A_17] : memref<2048x128xf32, #tpu.memory_space<vmem>>, vector<2048x128xf32>
    tpu.vector_store %arg5[%swap3A, %swap3A_17], %mul3A_16 {strides = array<i32>} : memref<2048x128xf32, #tpu.memory_space<vmem>>, vector<2048x128xf32>,
    return
  }
  func.func @transform_0(%arg0: i32) -> (i32, i32) {
    %c0_i32 = arith.constant 0 : i32
    %c0_i32_0 = arith.constant 0 : i32
    return %c0_i32, %arg0 : i32, i32
  }
  func.func @transform_1(%arg0: i32) -> (i32, i32) {
    %c0_i32 = arith.constant 0 : i32
    %c0_i32_0 = arith.constant 0 : i32
    return %arg0, %c0_i32 : i32, i32
  }
  func.func @transform_2(%arg0: i32) -> (i32, i32) {
    %c0_i32 = arith.constant 0 : i32
    %c0_i32_0 = arith.constant 0 : i32
    %c0_i32_1 = arith.constant 0 : i32
    return %c0_i32, %c0_i32_0 : i32, i32
  }
  func.func @transform_3(%arg0: i32) -> (i32, i32) {
    %c0_i32 = arith.constant 0 : i32
    %c0_i32_0 = arith.constant 0 : i32
    %c0_i32_1 = arith.constant 0 : i32
    return %c0_i32, %c0_i32_0 : i32, i32
  }
  func.func @transform_4(%arg0: i32) -> (i32, i32) {
    %c0_i32 = arith.constant 0 : i32
    %c0_i32_0 = arith.constant 0 : i32
    return %arg0, %c0_i32 : i32, i32
  }
}

</mosaic_0001>

<sc_bundles>
// kernel: kernel.4.cloned.1.call-start
scs
__scs_entry_jumppad:
0x0: {  	(pc) =	sbr.rel $0x88, $3  }
0x1: {  	(tag) =	ssettag $0x0;
	lr =	simm.s32 $0x1  }
0x2: {  	[smem:$0x3F9D] =	sst lr;
	_ =	strace $0xD0000000  }
0x3: {  	_ = 	snop  }
0x4: {  	_ = 	snop  }
0x5: {  	_ = 	snop  }
0x6: {  	_ = 	snop  }
0x7: {  	_ = 	snop  }
__scs_overlays_trampoline_lowered:
0x8: {  	[smem:$0x3FAC] =	sst s0  }
0x9: {  	[smem:$0x3FAD] =	sst s1  }
0xa: {  	[smem:$0x3FAE] =	sst s2  }
0xb: {  	[smem:$0x3FAF] =	sst s3  }
0xc: {  	[smem:$0x3FB0] =	sst s4  }
0xd: {  	[smem:$0x3FB1] =	sst s5  }
0xe: {  	[smem:$0x3FB2] =	sst s6  }
0xf: {  	[smem:$0x3FB3] =	sst s7  }
0x10: {  	[smem:$0x3FB4] =	sst s8  }
0x11: {  	[smem:$0x3FB5] =	sst s9;
	s0 =	simm.s32 @!p0 $0x0  }
0x12: {  	s1 =	sld [smem:$0x3F9B];
	s0 =	simm.s32 @p0 $0x1  }
0x13: {  	[smem:$0x3FB6] =	sst s0;
	s0 =	simm.s32 @!p1 $0x0  }
0x14: {  	s2 =	sld [smem:$0x3F9A];
	s0 =	simm.s32 @p1 $0x1  }
0x15: {  	[smem:$0x3FB7] =	sst s0;
	s0 =	simm.s32 @!p2 $0x0  }
0x16: {  	s3 =	sld [smem:$0x3FDB];
	s0 =	simm.s32 @p2 $0x1  }
0x17: {  	s4 =	simm.s32 $0x1BF5;
	[smem:$0x3FB9] =	sst s0  }
0x18: {  	s0 =	sld [smem:$0x3F9C];
	_ =	swait.ge [sflag:s4], $0x0  }
0x19: {  	s7 =	sld [smem:$0x3F9D]  }
0x1a: {  	s8 =	sadd.s32 $0xFFFFE003, lr  }
0x1b: {  	s9 =	sadd.s32 $0xFFFFFEF7, lr;
	s5 =	simm.s32 $0xFFFFFFFF;
	p2 =	slt.u32 s8, $0xFFFFF086  }
0x1c: {  	p1 =	slt.u32 s9, $0xF7A;
	s5 =	simm.s32 @!p2 $0x0  }
0x1d: {  	s5 =	simm.s32 @p1 $0x1;
	p0 =	seq.s32 s7, s2  }
0x1e: {  	s7 =	smul.u32 @!p0 $0xF7A, s2;
	p2 =	seq.s32 @!p0 s5, $0x0  }
0x1f: {  	s9 =	smul.u32 $0xF7A, s1;
	s8 =	simm.s32 @!p0 $0x1BF5;
	p2 =	por !p2, p0  }
0x20: {  	[sflag:s8] =	ssyncset.s32 @!p0 $0xFFFFF086;
	s6 =	sadd.s32 @!p0 s3, s7;
	s7 =	simm.s32 @!p0 $0x108  }
0x21: {  	s3 =	sadd.s32 s3, s9;
	s6 =	sadd.s32 @!p0 $0x88, s6;
	s7 =	simm.s32 @p2 $0x1082  }
0x22: {  	[simem:s7], [sflag:s8] =	dma.local @!p0 [hbm:s6], $0xF7A  }
0x23: {  	s9 =	sor.u32 $0xD0000000, s2;
	s6 =	simm.s32 $0x108;
	_ =	swait.ge @!p0 [sflag:s8], $0x0  }
0x24: {  	s3 =	sadd.s32 $0x88, s3;
	s6 =	simm.s32 @!p1 $0x1082;
	[sflag:s4] =	ssyncset.s32 $0xFFFFF086  }
0x25: {  	[simem:s6], [sflag:s4] =	dma.local [hbm:s3], $0xF7A  }
0x26: {  	[smem:$0x3F9D] =	sst s1;
	(tag) =	ssettag s2;
	_ =	strace s9  }
0x27: {  	s1 =	sld [smem:$0x3FAD]  }
0x28: {  	s2 =	sld [smem:$0x3FAE]  }
0x29: {  	s4 =	sld [smem:$0x3FB0]  }
0x2a: {  	p0 =	seq.s32 s5, $0x0;
	s5 =	sld [smem:$0x3FB1]  }
0x2b: {  	s6 =	sld [smem:$0x3FB2]  }
0x2c: {  	s7 =	sld [smem:$0x3FB3]  }
0x2d: {  	s3 =	simm.s32 $0x108;
	s8 =	sld [smem:$0x3FB4]  }
0x2e: {  	s3 =	simm.s32 @!p0 $0x1082;
	s9 =	sld [smem:$0x3FB5]  }
0x2f: {  	lr =	sadd.s32 s0, s3;
	s0 =	sld [smem:$0x3FAC]  }
0x30: {  	s3 =	sld [smem:$0x3FAF]  }
0x31: {  	[smem:$0x3FB8] =	sst s10  }
0x32: {  	s10 =	sld [smem:$0x3FB6];
	_ =	sdelay $0x3  }
0x33: {  	p0 =	seq.s32 s10, $0x1;
	s10 =	sld [smem:$0x3FB8];
	_ =	sdelay $0x3  }
0x34: {  	[smem:$0x3FB8] =	sst s10  }
0x35: {  	s10 =	sld [smem:$0x3FB7];
	_ =	sdelay $0x3  }
0x36: {  	p1 =	seq.s32 s10, $0x1;
	s10 =	sld [smem:$0x3FB8];
	_ =	sdelay $0x3  }
0x37: {  	[smem:$0x3FB8] =	sst s10  }
0x38: {  	s10 =	sld [smem:$0x3FB9]  }
0x39: {  	_ = 	snop;
	(pc) =	sbr.ind lr, $3  }
0x3a: {  	_ = 	snop  }
0x3b: {  	_ = 	snop  }
0x3c: {  	p2 =	seq.s32 s10, $0x1;
	s10 =	sld [smem:$0x3FB8]  }
0x3d: {  	_ =	shalt  }
0x3e: {  	_ =	shalt  }
0x3f: {  	_ =	shalt  }
0x40: {  	_ =	shalt  }
0x41: {  	_ =	shalt  }
0x42: {  	_ =	shalt  }
0x43: {  	_ =	shalt  }
0x44: {  	_ =	shalt  }
0x45: {  	_ =	shalt  }
0x46: {  	_ =	shalt  }
0x47: {  	_ =	shalt  }
0x48: {  	_ =	shalt  }
0x49: {  	_ =	shalt  }
0x4a: {  	_ =	shalt  }
0x4b: {  	_ =	shalt  }
0x4c: {  	_ =	shalt  }
0x4d: {  	_ =	shalt  }
0x4e: {  	_ =	shalt  }
0x4f: {  	_ =	shalt  }
0x50: {  	_ =	shalt  }
0x51: {  	_ =	shalt  }
0x52: {  	_ =	shalt  }
0x53: {  	_ =	shalt  }
0x54: {  	_ =	shalt  }
0x55: {  	_ =	shalt  }
0x56: {  	_ =	shalt  }
0x57: {  	_ =	shalt  }
0x58: {  	_ =	shalt  }
0x59: {  	_ =	shalt  }
0x5a: {  	_ =	shalt  }
0x5b: {  	_ =	shalt  }
0x5c: {  	_ =	shalt  }
0x5d: {  	_ =	shalt  }
0x5e: {  	_ =	shalt  }
0x5f: {  	_ =	shalt  }
0x60: {  	_ =	shalt  }
0x61: {  	_ =	shalt  }
0x62: {  	_ =	shalt  }
0x63: {  	_ =	shalt  }
0x64: {  	_ =	shalt  }
0x65: {  	_ =	shalt  }
0x66: {  	_ =	shalt  }
0x67: {  	_ =	shalt  }
0x68: {  	_ =	shalt  }
0x69: {  	_ =	shalt  }
0x6a: {  	_ =	shalt  }
0x6b: {  	_ =	shalt  }
0x6c: {  	_ =	shalt  }
0x6d: {  	_ =	shalt  }
0x6e: {  	_ =	shalt  }
0x6f: {  	_ =	shalt  }
0x70: {  	_ =	shalt  }
0x71: {  	_ =	shalt  }
0x72: {  	_ =	shalt  }
0x73: {  	_ =	shalt  }
0x74: {  	_ =	shalt  }
0x75: {  	_ =	shalt  }
0x76: {  	_ =	shalt  }
0x77: {  	_ =	shalt  }
0x78: {  	_ =	shalt  }
0x79: {  	_ =	shalt  }
0x7a: {  	_ =	shalt  }
0x7b: {  	_ =	shalt  }
0x7c: {  	_ =	shalt  }
0x7d: {  	_ =	shalt  }
0x7e: {  	_ =	shalt  }
0x7f: {  	_ =	shalt  }
0x80: {  	_ =	shalt  }
0x81: {  	_ =	shalt  }
0x82: {  	_ =	shalt  }
0x83: {  	_ =	shalt  }
0x84: {  	_ =	shalt  }
0x85: {  	_ =	shalt  }
0x86: {  	_ =	shalt  }
0x87: {  	_ =	shalt  }
.Lfunc_end0:
.L_simem_size_0:
called_computation_lowered:
.L_overlay_start_0:
0x88: {  	s2 =	sld [smem:$0x3FD9]  }
0x89: {  	s3 =	sld [smem:$0x3FFE];
	_ =	sdelay $0x1  }
0x8a: {  	s1 =	srdreg.scid  }
0x8b: {  	s0 =	sand.u32 $0x1, s1  }
0x8c: {  	s17 =	sshll.u32 s0, $0xA;
	s2 =	sadd.s32 s3, s2  }
0x8d: {  	s2 =	sadd.s32 s2, s17  }
0x8e: {  	[smem:$0x3FC4] =	sst s2  }
0x8f: {  	_ = 	snop  }
0x90: {  	s2 =	sld [smem:$0x3FD0];
	(tm) =	ssettm $0x1  }
0x91: {  	s18 =	sld [smem:$0x3FFB];
	_ =	sdelay $0x3  }
0x92: {  	_ =	strace s18  }
0x93: {  	s3 =	sld [smem:$0x3FFC];
	_ =	sdelay $0x3  }
0x94: {  	_ =	strace s3  }
0x95: {  	s3 =	sld [smem:$0x3FFD];
	_ =	sdelay $0x3  }
0x96: {  	_ =	strace s3  }
0x97: {  	_ =	strace $0x8FFFFFFF  }
0x98: {  	s19 =	sld [smem:$0x3FDB];
	_ =	sdelay $0x1  }
0x99: {  	s4 =	simm.s32 $_scs_section_size  }
0x9a: {  	s5 =	simm.s32 $_size__tile_overlayer_lowered;
	s6 =	simm.s32 $_tile_overlayer_lowered  }
0x9b: {  	s22 =	simm.s32 $0x1BFF;
	s21 =	sshll.u32 s6, $0x1;
	s3 =	sadd.s32 s4, s19  }
0x9c: {  	s7 =	simm.s32 $0x0;
	s20 =	sshll.u32 s5, $0x1;
	s5 =	sadd.s32 s21, s3  }
0x9d: {  	[timem:s7], [sflag:s22] =	dma.local [hbm:s5], s20  }
0x9e: {  	_ =	swait.ge [sflag:s22], s20  }
0x9f: {  	s4 =	ssub.s32 $0x0, s20;
	[sflag:s22] =	ssyncset.done $0x0  }
0xa0: {  	[sflag:s22] =	ssyncadd.s32 s4;
	_ =	sdelay $0x1  }
0xa1: {  	s23 =	simm.s32 $0x1B8B  }
0xa2: {  	_ =	swait.ge [sflag:s23], $0x1  }
0xa3: {  	[sflag:s23] =	ssyncset.done $0x0  }
0xa4: {  	s25 =	simm.s32 $0x1B8E;
	s24 =	sld [smem:$0x3FFE];
	[sflag:s23] =	ssyncadd.s32 $0xFFFFFFFF  }
0xa5: {  	s26 =	simm.s32 $execute0_lowered;
	[smem:$0x3FD2] =	sst s25  }
0xa6: {  	s5 =	sshll.u32 s26, $0x1;
	_ =	strace $0x80000046;
	[dreg:$0x1] =	wrdreg $0xFFFFFFFF  }
0xa7: {  	s28 =	simm.s32 $_size_execute0_lowered;
	s3 =	sadd.s32 s3, s5;
	[dreg:$0x0] =	wrdreg $0x0  }
0xa8: {  	s5 =	sshll.u32 s28, $0x1;
	[dreg:$0x2] =	wrdreg s3  }
0xa9: {  	[dreg:$0x3] =	wrdreg s5  }
0xaa: {  	[dreg:$0x4] =	wrdreg $0xC0  }
0xab: {  	_ =	task [dreg:s7], $0x5FFFF  }
0xac: {  	[dreg:$0x1] =	wrdreg $0xFFFFFFFF  }
0xad: {  	[dreg:$0x0] =	wrdreg $0x60  }
0xae: {  	[dreg:$0x2] =	wrdreg s2  }
0xaf: {  	[dreg:$0x3] =	wrdreg s24  }
0xb0: {  	[dreg:$0x4] =	wrdreg $0x37000  }
0xb1: {  	[dreg:$0x5] =	wrdreg $0x9  }
0xb2: {  	_ =	task.clear_ibuf [dreg:s7], $0x6FFFF;
	_ =	strace $0x90000046  }
0xb3: {  	s29 =	simm.s32 $0x9;
	_ =	strace $0x80000048  }
0xb4: {  	_ =	swait.ge [sflag:s29], $0x1  }
0xb5: {  	[sflag:s29] =	ssyncadd.s32 $0xFFFFFFFF  }
0xb6: {  	_ =	strace $0x90000048  }
0xb7: {  	_ =	sfence  }
0xb8: {  	s30 =	sld [smem:$0x0];
	_ =	sdelay $0x2  }
0xb9: {  	s31 =	sshll.u32 s1, $0xD;
	s1 =	sshrl.u32 s1, $0x2  }
0xba: {  	s3 =	sand.u32 $0x4000, s31;
	s1 =	sadd.s32 s1, s30  }
0xbb: {  	s0 =	sor.u32 s3, s0;
	s1 =	sshll.u32 s1, $0x11  }
0xbc: {  	s0 =	sor.u32 s1, s0  }
0xbd: {  	s0 =	sadd.s32 $0x8F2B, s0  }
0xbe: {  	[sflag:s0] =	ssyncadd.remote.s32 $0x1  }
0xbf: {  	_ =	sfence.sel $0xFFFF  }
0xc0: {  	[dreg:$0x0] =	wrdreg $0xFFFFFFFF;
	(pc) =	sbr.abs _section_cstart, $3  }
0xc1: {  	[dreg:$0x1] =	wrdreg $0xFFFFFFFF  }
0xc2: {  	_ =	task.clear_ibuf [dreg:s7], $0x2FFFF;
	_ =	strace $0x9FFFFFFF  }
0xc3: {  	(tm) =	ssettm $0x7FFFFFFF  }
tec
execute0_lowered:
.L_overlay_start_1:
0x0: {  	(tag) =	ssettag $0x1  }
0x1: {  	s4 =	rddreg [dreg:$0x0]  }
0x2: {  	s5 =	rddreg [dreg:$0x1]  }
0x3: {  	s2 =	rddreg [dreg:$0x2]  }
0x4: {  	s0 =	rddreg [dreg:$0x3];
	s6 =	srdreg.scid  }
0x5: {  	s1 =	stileid.u32;
	s3 =	simm.s32 $0x0;
	s11 =	simm.s32 $0x64  }
0x6: {  	s12 =	simm.s32 $0x3400;
	s15 =	simm.s32 $0x20;
	s16 =	simm.s32 $0x10  }
0x7: {  	s17 =	simm.s32 $0x0;
	s6 =	sand.u32 $0x1, s6;
	s7 =	smul.u32 $0x500, s1  }
0x8: {  	[smem:$0x7FF] =	sst s3;
	s29 =	sshll.u32 s1, $0x1;
	s30 =	smul.u32 $0xA00, s1  }
0x9: {  	s13 =	sshll.u32 s1, $0x6;
	s8 =	sshll.u32 s6, $0x7;
	_ =	strace $0x80000047  }
0xa: {  	s9 =	ssub.s32 $0x2, s6;
	s6 =	sor.u32 s6, s29;
	s13 =	sor.u32 $0x1C02, s13  }
0xb: {  	s7 =	sor.u32 s8, s7;
	s10 =	sshrl.u32 s9, $0x1;
	s6 =	smul.u32 $0x680, s6  }
0xc: {  	s31 =	sshrl.u32 s30, $0x2;
	s8 =	simm.s32 $0x3480;
	s7 =	sshrl.u32 s7, $0x3  }
0xd: {  	s9 =	ssub.s32 s9, s10;
	s10 =	simm.s32 $0x1;
	s7 =	sadd.s32 s7, s5  }
0xe: {  	s4 =	sadd.s32 s4, s6;
	s5 =	sadd.s32 s31, s2;
	s6 =	sadd.s32 $0x1200, s7  }
0xf: {  	v0 =	vimm.f32 $1.000000000e+00;
	v1 =	vimm.f32 $0.0e+00;
	s7 =	smax.u32 s9, $0x1;
	s9 =	simm.s32 $0x2;
	s14 =	sshrl.u32 s5, $0x3  }
.LBB2_1:
0x10: {  	[tilespmem:s3], [sflag:$0x1] =	stream.linear.gather [hbm4b:s4+s3], $0x3200, $0x38;
	[tilespmem:$0x3980] =	vst v63  }
0x11: {  	[tilespmem:$0x3400] =	vst v0  }
0x12: {  	[tilespmem:$0x3410] =	vst v0  }
0x13: {  	[tilespmem:$0x3420] =	vst v0  }
0x14: {  	[tilespmem:$0x3430] =	vst v0  }
0x15: {  	[tilespmem:$0x3440] =	vst v0  }
0x16: {  	[tilespmem:$0x3450] =	vst v0  }
0x17: {  	[tilespmem:$0x3460] =	vst v0  }
0x18: {  	[tilespmem:$0x3480] =	vst v1  }
0x19: {  	[tilespmem:$0x3490] =	vst v1  }
0x1a: {  	[tilespmem:$0x34A0] =	vst v1  }
0x1b: {  	[tilespmem:$0x34B0] =	vst v1  }
0x1c: {  	[tilespmem:$0x34C0] =	vst v1  }
0x1d: {  	[tilespmem:$0x34D0] =	vst v1  }
0x1e: {  	[tilespmem:$0x34E0] =	vst v1  }
0x1f: {  	[tilespmem:$0x34F0] =	vst v1  }
0x20: {  	[tilespmem:$0x3500] =	vst v1  }
0x21: {  	[tilespmem:$0x3510] =	vst v1  }
0x22: {  	[tilespmem:$0x3520] =	vst v1  }
0x23: {  	[tilespmem:$0x3530] =	vst v1  }
0x24: {  	[tilespmem:$0x3540] =	vst v1  }
0x25: {  	[tilespmem:$0x3550] =	vst v1  }
0x26: {  	[tilespmem:$0x3560] =	vst v1  }
0x27: {  	[tilespmem:$0x3570] =	vst v1  }
0x28: {  	[tilespmem:$0x3580] =	vst v1  }
0x29: {  	[tilespmem:$0x3590] =	vst v1  }
0x2a: {  	[tilespmem:$0x35A0] =	vst v1  }
0x2b: {  	[tilespmem:$0x35B0] =	vst v1  }
0x2c: {  	[tilespmem:$0x35C0] =	vst v1  }
0x2d: {  	[tilespmem:$0x35D0] =	vst v1  }
0x2e: {  	[tilespmem:$0x35E0] =	vst v1  }
0x2f: {  	[tilespmem:$0x35F0] =	vst v1  }
0x30: {  	[tilespmem:$0x3600] =	vst v1  }
0x31: {  	[tilespmem:$0x3610] =	vst v1  }
0x32: {  	[tilespmem:$0x3620] =	vst v1  }
0x33: {  	[tilespmem:$0x3630] =	vst v1  }
0x34: {  	[tilespmem:$0x3640] =	vst v1  }
0x35: {  	[tilespmem:$0x3650] =	vst v1  }
0x36: {  	[tilespmem:$0x3660] =	vst v1  }
0x37: {  	[tilespmem:$0x3670] =	vst v1  }
0x38: {  	[tilespmem:$0x3680] =	vst v1  }
0x39: {  	[tilespmem:$0x3690] =	vst v1  }
0x3a: {  	[tilespmem:$0x36A0] =	vst v1  }
0x3b: {  	[tilespmem:$0x36B0] =	vst v1  }
0x3c: {  	[tilespmem:$0x36C0] =	vst v1  }
0x3d: {  	[tilespmem:$0x36D0] =	vst v1  }
0x3e: {  	[tilespmem:$0x36E0] =	vst v1  }
0x3f: {  	[tilespmem:$0x36F0] =	vst v1  }
0x40: {  	[spmem:s5] =	stream.linear.scatter [tilespmem:s8], [sflag:$0x2], $0x280, $0x38;
	[tilespmem:$0x3980] =	vst v63  }
0x41: {  	_ =	swait.ge [sflag:s9], $0x280  }
0x42: {  	[sflag:s9] =	ssyncset.done $0x0  }
0x43: {  	[sflag:s9] =	ssyncadd.s32 $0xFFFFFD80  }
0x44: {  	[bflag:$0x0] =	sbarrier.arrive $0xFFFF  }
0x45: {  	_ =	swait.ge [sflag:s10], $0x3200  }
0x46: {  	[sflag:s10] =	ssyncset.done $0x0  }
0x47: {  	s18 =	simm.s32 $0x0;
	[sflag:s10] =	ssyncadd.s32 $0xFFFFCE00  }
0x48: {  	[spmem:s2] =	stream.indirect.scatter.add.f32 [tilespmem:s12], [sflag:$0x1], $0x1, s18, s11, $0xb8;
	[tilespmem:$0x3980] =	vst v63  }
0x49: {  	s19 =	simm.s32 $0x80  }
0x4a: {  	[spmem:s2] =	stream.indirect.scatter.add.f32 [tilespmem:s12], [sflag:$0x1], $0x1, s19, s11, $0xb8;
	[tilespmem:$0x3980] =	vst v63  }
0x4b: {  	s20 =	simm.s32 $0x100  }
0x4c: {  	[spmem:s2] =	stream.indirect.scatter.add.f32 [tilespmem:s12], [sflag:$0x1], $0x1, s20, s11, $0xb8;
	[tilespmem:$0x3980] =	vst v63  }
0x4d: {  	s21 =	simm.s32 $0x180  }
0x4e: {  	[spmem:s2] =	stream.indirect.scatter.add.f32 [tilespmem:s12], [sflag:$0x1], $0x1, s21, s11, $0xb8;
	[tilespmem:$0x3980] =	vst v63  }
0x4f: {  	s22 =	simm.s32 $0x200  }
0x50: {  	[spmem:s2] =	stream.indirect.scatter.add.f32 [tilespmem:s12], [sflag:$0x1], $0x1, s22, s11, $0xb8;
	[tilespmem:$0x3980] =	vst v63  }
0x51: {  	s23 =	simm.s32 $0x280  }
0x52: {  	[spmem:s2] =	stream.indirect.scatter.add.f32 [tilespmem:s12], [sflag:$0x1], $0x1, s23, s11, $0xb8;
	[tilespmem:$0x3980] =	vst v63  }
0x53: {  	s24 =	simm.s32 $0x300  }
0x54: {  	[spmem:s2] =	stream.indirect.scatter.add.f32 [tilespmem:s12], [sflag:$0x1], $0x1, s24, s11, $0xb8;
	[tilespmem:$0x3980] =	vst v63  }
0x55: {  	s25 =	simm.s32 $0x380  }
0x56: {  	[spmem:s2] =	stream.indirect.scatter.add.f32 [tilespmem:s12], [sflag:$0x1], $0x1, s25, s11, $0xb8;
	[tilespmem:$0x3980] =	vst v63  }
0x57: {  	s26 =	simm.s32 $0x400  }
0x58: {  	[spmem:s2] =	stream.indirect.scatter.add.f32 [tilespmem:s12], [sflag:$0x1], $0x1, s26, s11, $0xb8;
	[tilespmem:$0x3980] =	vst v63  }
0x59: {  	s28 =	simm.s32 $0x480  }
0x5a: {  	[spmem:s2] =	stream.indirect.scatter.add.f32 [tilespmem:s12], [sflag:$0x1], $0x1, s28, s11, $0xb8;
	[tilespmem:$0x3980] =	vst v63  }
0x5b: {  	s29 =	simm.s32 $0x500  }
0x5c: {  	[spmem:s2] =	stream.indirect.scatter.add.f32 [tilespmem:s12], [sflag:$0x1], $0x1, s29, s11, $0xb8;
	[tilespmem:$0x3980] =	vst v63  }
0x5d: {  	s30 =	simm.s32 $0x580  }
0x5e: {  	[spmem:s2] =	stream.indirect.scatter.add.f32 [tilespmem:s12], [sflag:$0x1], $0x1, s30, s11, $0xb8;
	[tilespmem:$0x3980] =	vst v63  }
0x5f: {  	s31 =	simm.s32 $0x600  }
0x60: {  	[spmem:s2] =	stream.indirect.scatter.add.f32 [tilespmem:s12], [sflag:$0x1], $0x1, s31, s11, $0xb8;
	[tilespmem:$0x3980] =	vst v63  }
0x61: {  	s19 =	simm.s32 $0x680  }
0x62: {  	[spmem:s2] =	stream.indirect.scatter.add.f32 [tilespmem:s12], [sflag:$0x1], $0x1, s19, s11, $0xb8;
	[tilespmem:$0x3980] =	vst v63  }
0x63: {  	s20 =	simm.s32 $0x700  }
0x64: {  	[spmem:s2] =	stream.indirect.scatter.add.f32 [tilespmem:s12], [sflag:$0x1], $0x1, s20, s11, $0xb8;
	[tilespmem:$0x3980] =	vst v63  }
0x65: {  	s21 =	simm.s32 $0x780  }
0x66: {  	[spmem:s2] =	stream.indirect.scatter.add.f32 [tilespmem:s12], [sflag:$0x1], $0x1, s21, s11, $0xb8;
	[tilespmem:$0x3980] =	vst v63  }
0x67: {  	s22 =	simm.s32 $0x800  }
0x68: {  	[spmem:s2] =	stream.indirect.scatter.add.f32 [tilespmem:s12], [sflag:$0x1], $0x1, s22, s11, $0xb8;
	[tilespmem:$0x3980] =	vst v63  }
0x69: {  	s23 =	simm.s32 $0x880  }
0x6a: {  	[spmem:s2] =	stream.indirect.scatter.add.f32 [tilespmem:s12], [sflag:$0x1], $0x1, s23, s11, $0xb8;
	[tilespmem:$0x3980] =	vst v63  }
0x6b: {  	s24 =	simm.s32 $0x900  }
0x6c: {  	[spmem:s2] =	stream.indirect.scatter.add.f32 [tilespmem:s12], [sflag:$0x1], $0x1, s24, s11, $0xb8;
	[tilespmem:$0x3980] =	vst v63  }
0x6d: {  	s25 =	simm.s32 $0x980  }
0x6e: {  	[spmem:s2] =	stream.indirect.scatter.add.f32 [tilespmem:s12], [sflag:$0x1], $0x1, s25, s11, $0xb8;
	[tilespmem:$0x3980] =	vst v63  }
0x6f: {  	s26 =	simm.s32 $0xA00  }
0x70: {  	[spmem:s2] =	stream.indirect.scatter.add.f32 [tilespmem:s12], [sflag:$0x1], $0x1, s26, s11, $0xb8;
	[tilespmem:$0x3980] =	vst v63  }
0x71: {  	s28 =	simm.s32 $0xA80  }
0x72: {  	[spmem:s2] =	stream.indirect.scatter.add.f32 [tilespmem:s12], [sflag:$0x1], $0x1, s28, s11, $0xb8;
	[tilespmem:$0x3980] =	vst v63  }
0x73: {  	s29 =	simm.s32 $0xB00  }
0x74: {  	[spmem:s2] =	stream.indirect.scatter.add.f32 [tilespmem:s12], [sflag:$0x1], $0x1, s29, s11, $0xb8;
	[tilespmem:$0x3980] =	vst v63  }
0x75: {  	s30 =	simm.s32 $0xB80  }
0x76: {  	[spmem:s2] =	stream.indirect.scatter.add.f32 [tilespmem:s12], [sflag:$0x1], $0x1, s30, s11, $0xb8;
	[tilespmem:$0x3980] =	vst v63  }
0x77: {  	s31 =	simm.s32 $0xC00  }
0x78: {  	[spmem:s2] =	stream.indirect.scatter.add.f32 [tilespmem:s12], [sflag:$0x1], $0x1, s31, s11, $0xb8;
	[tilespmem:$0x3980] =	vst v63  }
0x79: {  	_ =	swait.ge [sflag:s10], $0x64  }
0x7a: {  	[sflag:s10] =	ssyncset.done $0x0  }
0x7b: {  	[sflag:s10] =	ssyncadd.s32 $0xFFFFFF9C  }
0x7c: {  	_ =	swait.ge [sflag:s10], $0x64  }
0x7d: {  	[sflag:s10] =	ssyncset.done $0x0  }
0x7e: {  	[sflag:s10] =	ssyncadd.s32 $0xFFFFFF9C  }
0x7f: {  	_ =	swait.ge [sflag:s10], $0x64  }
0x80: {  	[sflag:s10] =	ssyncset.done $0x0  }
0x81: {  	[sflag:s10] =	ssyncadd.s32 $0xFFFFFF9C  }
0x82: {  	_ =	swait.ge [sflag:s10], $0x64  }
0x83: {  	[sflag:s10] =	ssyncset.done $0x0  }
0x84: {  	[sflag:s10] =	ssyncadd.s32 $0xFFFFFF9C  }
0x85: {  	_ =	swait.ge [sflag:s10], $0x64  }
0x86: {  	[sflag:s10] =	ssyncset.done $0x0  }
0x87: {  	[sflag:s10] =	ssyncadd.s32 $0xFFFFFF9C  }
0x88: {  	_ =	swait.ge [sflag:s10], $0x64  }
0x89: {  	[sflag:s10] =	ssyncset.done $0x0  }
0x8a: {  	[sflag:s10] =	ssyncadd.s32 $0xFFFFFF9C  }
0x8b: {  	_ =	swait.ge [sflag:s10], $0x64  }
0x8c: {  	[sflag:s10] =	ssyncset.done $0x0  }
0x8d: {  	[sflag:s10] =	ssyncadd.s32 $0xFFFFFF9C  }
0x8e: {  	_ =	swait.ge [sflag:s10], $0x64  }
0x8f: {  	[sflag:s10] =	ssyncset.done $0x0  }
0x90: {  	[sflag:s10] =	ssyncadd.s32 $0xFFFFFF9C  }
0x91: {  	_ =	swait.ge [sflag:s10], $0x64  }
0x92: {  	[sflag:s10] =	ssyncset.done $0x0  }
0x93: {  	[sflag:s10] =	ssyncadd.s32 $0xFFFFFF9C  }
0x94: {  	_ =	swait.ge [sflag:s10], $0x64  }
0x95: {  	[sflag:s10] =	ssyncset.done $0x0  }
0x96: {  	[sflag:s10] =	ssyncadd.s32 $0xFFFFFF9C  }
0x97: {  	_ =	swait.ge [sflag:s10], $0x64  }
0x98: {  	[sflag:s10] =	ssyncset.done $0x0  }
0x99: {  	[sflag:s10] =	ssyncadd.s32 $0xFFFFFF9C  }
0x9a: {  	_ =	swait.ge [sflag:s10], $0x64  }
0x9b: {  	[sflag:s10] =	ssyncset.done $0x0  }
0x9c: {  	[sflag:s10] =	ssyncadd.s32 $0xFFFFFF9C  }
0x9d: {  	_ =	swait.ge [sflag:s10], $0x64  }
0x9e: {  	[sflag:s10] =	ssyncset.done $0x0  }
0x9f: {  	[sflag:s10] =	ssyncadd.s32 $0xFFFFFF9C  }
0xa0: {  	_ =	swait.ge [sflag:s10], $0x64  }
0xa1: {  	[sflag:s10] =	ssyncset.done $0x0  }
0xa2: {  	[sflag:s10] =	ssyncadd.s32 $0xFFFFFF9C  }
0xa3: {  	_ =	swait.ge [sflag:s10], $0x64  }
0xa4: {  	[sflag:s10] =	ssyncset.done $0x0  }
0xa5: {  	[sflag:s10] =	ssyncadd.s32 $0xFFFFFF9C  }
0xa6: {  	_ =	swait.ge [sflag:s10], $0x64  }
0xa7: {  	[sflag:s10] =	ssyncset.done $0x0  }
0xa8: {  	[sflag:s10] =	ssyncadd.s32 $0xFFFFFF9C  }
0xa9: {  	_ =	swait.ge [sflag:s10], $0x64  }
0xaa: {  	[sflag:s10] =	ssyncset.done $0x0  }
0xab: {  	[sflag:s10] =	ssyncadd.s32 $0xFFFFFF9C  }
0xac: {  	_ =	swait.ge [sflag:s10], $0x64  }
0xad: {  	[sflag:s10] =	ssyncset.done $0x0  }
0xae: {  	[sflag:s10] =	ssyncadd.s32 $0xFFFFFF9C  }
0xaf: {  	_ =	swait.ge [sflag:s10], $0x64  }
0xb0: {  	[sflag:s10] =	ssyncset.done $0x0  }
0xb1: {  	[sflag:s10] =	ssyncadd.s32 $0xFFFFFF9C  }
0xb2: {  	_ =	swait.ge [sflag:s10], $0x64  }
0xb3: {  	[sflag:s10] =	ssyncset.done $0x0  }
0xb4: {  	[sflag:s10] =	ssyncadd.s32 $0xFFFFFF9C  }
0xb5: {  	_ =	swait.ge [sflag:s10], $0x64  }
0xb6: {  	[sflag:s10] =	ssyncset.done $0x0  }
0xb7: {  	[sflag:s10] =	ssyncadd.s32 $0xFFFFFF9C  }
0xb8: {  	_ =	swait.ge [sflag:s10], $0x64  }
0xb9: {  	[sflag:s10] =	ssyncset.done $0x0  }
0xba: {  	[sflag:s10] =	ssyncadd.s32 $0xFFFFFF9C  }
0xbb: {  	_ =	swait.ge [sflag:s10], $0x64  }
0xbc: {  	[sflag:s10] =	ssyncset.done $0x0  }
0xbd: {  	[sflag:s10] =	ssyncadd.s32 $0xFFFFFF9C  }
0xbe: {  	_ =	swait.ge [sflag:s10], $0x64  }
0xbf: {  	[sflag:s10] =	ssyncset.done $0x0  }
0xc0: {  	[sflag:s10] =	ssyncadd.s32 $0xFFFFFF9C  }
0xc1: {  	_ =	swait.ge [sflag:s10], $0x64  }
0xc2: {  	s18 =	simm.s32 $0x3200;
	s21 =	simm.s32 $0x6400;
	[sflag:s10] =	ssyncset.done $0x0  }
.LBB2_2:
0xc3: {  	s20 =	sshra.s32 s18, $0x2  }
0xc4: {  	[sflag:s10] =	ssyncadd.s32 $0xFFFFFF9C;
	s18 =	smov.u32 s21;
	s19 =	sadd.s32 $0x3200, s21  }
0xc5: {  	[spmem:s2] =	stream.indirect.scatter.add.f32 [tilespmem:s12], [sflag:$0x1], $0x1, s20, s11, $0xb8;
	[tilespmem:$0x3980] =	vst v63  }
0xc6: {  	p0 =	sne.s32 s21, $0x9600;
	s21 =	sadd.s32 $0x80, s20  }
0xc7: {  	[spmem:s2] =	stream.indirect.scatter.add.f32 [tilespmem:s12], [sflag:$0x1], $0x1, s21, s11, $0xb8;
	[tilespmem:$0x3980] =	vst v63  }
0xc8: {  	s21 =	sadd.s32 $0x100, s20  }
0xc9: {  	[spmem:s2] =	stream.indirect.scatter.add.f32 [tilespmem:s12], [sflag:$0x1], $0x1, s21, s11, $0xb8;
	[tilespmem:$0x3980] =	vst v63  }
0xca: {  	s21 =	sadd.s32 $0x180, s20  }
0xcb: {  	[spmem:s2] =	stream.indirect.scatter.add.f32 [tilespmem:s12], [sflag:$0x1], $0x1, s21, s11, $0xb8;
	[tilespmem:$0x3980] =	vst v63  }
0xcc: {  	s21 =	sadd.s32 $0x200, s20  }
0xcd: {  	[spmem:s2] =	stream.indirect.scatter.add.f32 [tilespmem:s12], [sflag:$0x1], $0x1, s21, s11, $0xb8;
	[tilespmem:$0x3980] =	vst v63  }
0xce: {  	s21 =	sadd.s32 $0x280, s20  }
0xcf: {  	[spmem:s2] =	stream.indirect.scatter.add.f32 [tilespmem:s12], [sflag:$0x1], $0x1, s21, s11, $0xb8;
	[tilespmem:$0x3980] =	vst v63  }
0xd0: {  	s21 =	sadd.s32 $0x300, s20  }
0xd1: {  	[spmem:s2] =	stream.indirect.scatter.add.f32 [tilespmem:s12], [sflag:$0x1], $0x1, s21, s11, $0xb8;
	[tilespmem:$0x3980] =	vst v63  }
0xd2: {  	s21 =	sadd.s32 $0x380, s20  }
0xd3: {  	[spmem:s2] =	stream.indirect.scatter.add.f32 [tilespmem:s12], [sflag:$0x1], $0x1, s21, s11, $0xb8;
	[tilespmem:$0x3980] =	vst v63  }
0xd4: {  	s21 =	sadd.s32 $0x400, s20  }
0xd5: {  	[spmem:s2] =	stream.indirect.scatter.add.f32 [tilespmem:s12], [sflag:$0x1], $0x1, s21, s11, $0xb8;
	[tilespmem:$0x3980] =	vst v63  }
0xd6: {  	s21 =	sadd.s32 $0x480, s20  }
0xd7: {  	[spmem:s2] =	stream.indirect.scatter.add.f32 [tilespmem:s12], [sflag:$0x1], $0x1, s21, s11, $0xb8;
	[tilespmem:$0x3980] =	vst v63  }
0xd8: {  	s21 =	sadd.s32 $0x500, s20  }
0xd9: {  	[spmem:s2] =	stream.indirect.scatter.add.f32 [tilespmem:s12], [sflag:$0x1], $0x1, s21, s11, $0xb8;
	[tilespmem:$0x3980] =	vst v63  }
0xda: {  	s21 =	sadd.s32 $0x580, s20  }
0xdb: {  	[spmem:s2] =	stream.indirect.scatter.add.f32 [tilespmem:s12], [sflag:$0x1], $0x1, s21, s11, $0xb8;
	[tilespmem:$0x3980] =	vst v63  }
0xdc: {  	s21 =	sadd.s32 $0x600, s20  }
0xdd: {  	[spmem:s2] =	stream.indirect.scatter.add.f32 [tilespmem:s12], [sflag:$0x1], $0x1, s21, s11, $0xb8;
	[tilespmem:$0x3980] =	vst v63  }
0xde: {  	s21 =	sadd.s32 $0x680, s20  }
0xdf: {  	[spmem:s2] =	stream.indirect.scatter.add.f32 [tilespmem:s12], [sflag:$0x1], $0x1, s21, s11, $0xb8;
	[tilespmem:$0x3980] =	vst v63  }
0xe0: {  	s21 =	sadd.s32 $0x700, s20  }
0xe1: {  	[spmem:s2] =	stream.indirect.scatter.add.f32 [tilespmem:s12], [sflag:$0x1], $0x1, s21, s11, $0xb8;
	[tilespmem:$0x3980] =	vst v63  }
0xe2: {  	s21 =	sadd.s32 $0x780, s20  }
0xe3: {  	[spmem:s2] =	stream.indirect.scatter.add.f32 [tilespmem:s12], [sflag:$0x1], $0x1, s21, s11, $0xb8;
	[tilespmem:$0x3980] =	vst v63  }
0xe4: {  	s21 =	sadd.s32 $0x800, s20  }
0xe5: {  	[spmem:s2] =	stream.indirect.scatter.add.f32 [tilespmem:s12], [sflag:$0x1], $0x1, s21, s11, $0xb8;
	[tilespmem:$0x3980] =	vst v63  }
0xe6: {  	s21 =	sadd.s32 $0x880, s20  }
0xe7: {  	[spmem:s2] =	stream.indirect.scatter.add.f32 [tilespmem:s12], [sflag:$0x1], $0x1, s21, s11, $0xb8;
	[tilespmem:$0x3980] =	vst v63  }
0xe8: {  	s21 =	sadd.s32 $0x900, s20  }
0xe9: {  	[spmem:s2] =	stream.indirect.scatter.add.f32 [tilespmem:s12], [sflag:$0x1], $0x1, s21, s11, $0xb8;
	[tilespmem:$0x3980] =	vst v63  }
0xea: {  	s21 =	sadd.s32 $0x980, s20  }
0xeb: {  	[spmem:s2] =	stream.indirect.scatter.add.f32 [tilespmem:s12], [sflag:$0x1], $0x1, s21, s11, $0xb8;
	[tilespmem:$0x3980] =	vst v63  }
0xec: {  	s21 =	sadd.s32 $0xA00, s20  }
0xed: {  	[spmem:s2] =	stream.indirect.scatter.add.f32 [tilespmem:s12], [sflag:$0x1], $0x1, s21, s11, $0xb8;
	[tilespmem:$0x3980] =	vst v63  }
0xee: {  	s21 =	sadd.s32 $0xA80, s20  }
0xef: {  	[spmem:s2] =	stream.indirect.scatter.add.f32 [tilespmem:s12], [sflag:$0x1], $0x1, s21, s11, $0xb8;
	[tilespmem:$0x3980] =	vst v63  }
0xf0: {  	s21 =	sadd.s32 $0xB00, s20  }
0xf1: {  	[spmem:s2] =	stream.indirect.scatter.add.f32 [tilespmem:s12], [sflag:$0x1], $0x1, s21, s11, $0xb8;
	[tilespmem:$0x3980] =	vst v63  }
0xf2: {  	s21 =	sadd.s32 $0xB80, s20  }
0xf3: {  	[spmem:s2] =	stream.indirect.scatter.add.f32 [tilespmem:s12], [sflag:$0x1], $0x1, s21, s11, $0xb8;
	[tilespmem:$0x3980] =	vst v63  }
0xf4: {  	s20 =	sadd.s32 $0xC00, s20  }
0xf5: {  	[spmem:s2] =	stream.indirect.scatter.add.f32 [tilespmem:s12], [sflag:$0x1], $0x1, s20, s11, $0xb8;
	[tilespmem:$0x3980] =	vst v63  }
0xf6: {  	_ =	swait.ge [sflag:s10], $0x64  }
0xf7: {  	[sflag:s10] =	ssyncset.done $0x0  }
0xf8: {  	[sflag:s10] =	ssyncadd.s32 $0xFFFFFF9C  }
0xf9: {  	_ =	swait.ge [sflag:s10], $0x64  }
0xfa: {  	[sflag:s10] =	ssyncset.done $0x0  }
0xfb: {  	[sflag:s10] =	ssyncadd.s32 $0xFFFFFF9C  }
0xfc: {  	_ =	swait.ge [sflag:s10], $0x64  }
0xfd: {  	[sflag:s10] =	ssyncset.done $0x0  }
0xfe: {  	[sflag:s10] =	ssyncadd.s32 $0xFFFFFF9C  }
0xff: {  	_ =	swait.ge [sflag:s10], $0x64  }
0x100: {  	[sflag:s10] =	ssyncset.done $0x0  }
0x101: {  	[sflag:s10] =	ssyncadd.s32 $0xFFFFFF9C  }
0x102: {  	_ =	swait.ge [sflag:s10], $0x64  }
0x103: {  	[sflag:s10] =	ssyncset.done $0x0  }
0x104: {  	[sflag:s10] =	ssyncadd.s32 $0xFFFFFF9C  }
0x105: {  	_ =	swait.ge [sflag:s10], $0x64  }
0x106: {  	[sflag:s10] =	ssyncset.done $0x0  }
0x107: {  	[sflag:s10] =	ssyncadd.s32 $0xFFFFFF9C  }
0x108: {  	_ =	swait.ge [sflag:s10], $0x64  }
0x109: {  	[sflag:s10] =	ssyncset.done $0x0  }
0x10a: {  	[sflag:s10] =	ssyncadd.s32 $0xFFFFFF9C  }
0x10b: {  	_ =	swait.ge [sflag:s10], $0x64  }
0x10c: {  	[sflag:s10] =	ssyncset.done $0x0  }
0x10d: {  	[sflag:s10] =	ssyncadd.s32 $0xFFFFFF9C  }
0x10e: {  	_ =	swait.ge [sflag:s10], $0x64  }
0x10f: {  	[sflag:s10] =	ssyncset.done $0x0  }
0x110: {  	[sflag:s10] =	ssyncadd.s32 $0xFFFFFF9C  }
0x111: {  	_ =	swait.ge [sflag:s10], $0x64  }
0x112: {  	[sflag:s10] =	ssyncset.done $0x0  }
0x113: {  	[sflag:s10] =	ssyncadd.s32 $0xFFFFFF9C  }
0x114: {  	_ =	swait.ge [sflag:s10], $0x64  }
0x115: {  	[sflag:s10] =	ssyncset.done $0x0  }
0x116: {  	[sflag:s10] =	ssyncadd.s32 $0xFFFFFF9C  }
0x117: {  	_ =	swait.ge [sflag:s10], $0x64  }
0x118: {  	[sflag:s10] =	ssyncset.done $0x0  }
0x119: {  	[sflag:s10] =	ssyncadd.s32 $0xFFFFFF9C  }
0x11a: {  	_ =	swait.ge [sflag:s10], $0x64  }
0x11b: {  	[sflag:s10] =	ssyncset.done $0x0  }
0x11c: {  	[sflag:s10] =	ssyncadd.s32 $0xFFFFFF9C  }
0x11d: {  	_ =	swait.ge [sflag:s10], $0x64  }
0x11e: {  	[sflag:s10] =	ssyncset.done $0x0  }
0x11f: {  	[sflag:s10] =	ssyncadd.s32 $0xFFFFFF9C  }
0x120: {  	_ =	swait.ge [sflag:s10], $0x64  }
0x121: {  	[sflag:s10] =	ssyncset.done $0x0  }
0x122: {  	[sflag:s10] =	ssyncadd.s32 $0xFFFFFF9C  }
0x123: {  	_ =	swait.ge [sflag:s10], $0x64  }
0x124: {  	[sflag:s10] =	ssyncset.done $0x0  }
0x125: {  	[sflag:s10] =	ssyncadd.s32 $0xFFFFFF9C  }
0x126: {  	_ =	swait.ge [sflag:s10], $0x64  }
0x127: {  	[sflag:s10] =	ssyncset.done $0x0  }
0x128: {  	[sflag:s10] =	ssyncadd.s32 $0xFFFFFF9C  }
0x129: {  	_ =	swait.ge [sflag:s10], $0x64  }
0x12a: {  	[sflag:s10] =	ssyncset.done $0x0  }
0x12b: {  	[sflag:s10] =	ssyncadd.s32 $0xFFFFFF9C  }
0x12c: {  	_ =	swait.ge [sflag:s10], $0x64  }
0x12d: {  	[sflag:s10] =	ssyncset.done $0x0  }
0x12e: {  	[sflag:s10] =	ssyncadd.s32 $0xFFFFFF9C  }
0x12f: {  	_ =	swait.ge [sflag:s10], $0x64  }
0x130: {  	[sflag:s10] =	ssyncset.done $0x0  }
0x131: {  	[sflag:s10] =	ssyncadd.s32 $0xFFFFFF9C  }
0x132: {  	_ =	swait.ge [sflag:s10], $0x64  }
0x133: {  	[sflag:s10] =	ssyncset.done $0x0  }
0x134: {  	[sflag:s10] =	ssyncadd.s32 $0xFFFFFF9C  }
0x135: {  	_ =	swait.ge [sflag:s10], $0x64  }
0x136: {  	[sflag:s10] =	ssyncset.done $0x0  }
0x137: {  	[sflag:s10] =	ssyncadd.s32 $0xFFFFFF9C  }
0x138: {  	_ =	swait.ge [sflag:s10], $0x64  }
0x139: {  	[sflag:s10] =	ssyncset.done $0x0  }
0x13a: {  	[sflag:s10] =	ssyncadd.s32 $0xFFFFFF9C  }
.Ltmp0:
0x13b: {  	_ =	swait.ge [sflag:s10], $0x64;
	(pc) =	sbr.rel @p0 .LBB2_2-.Ltmp0, $4  }
0x13c: {  	[sflag:s10] =	ssyncset.done $0x0  }
0x13d: {  	[sflag:s10] =	ssyncadd.s32 $0xFFFFFF9C  }
0x13e: {  	_ =	swait.ge [sflag:s10], $0x64  }
0x13f: {  	s21 =	smov.u32 s19;
	[sflag:s10] =	ssyncset.done $0x0  }
0x140: {  	s18 =	sshra.s32 s18, $0x2;
	[sflag:s10] =	ssyncadd.s32 $0xFFFFFF9C  }
0x141: {  	[spmem:s2] =	stream.indirect.scatter.add.f32 [tilespmem:s12], [sflag:$0x1], $0x1, s18, s11, $0xb8;
	[tilespmem:$0x3980] =	vst v63  }
0x142: {  	s19 =	sadd.s32 $0x80, s18  }
0x143: {  	[spmem:s2] =	stream.indirect.scatter.add.f32 [tilespmem:s12], [sflag:$0x1], $0x1, s19, s11, $0xb8;
	[tilespmem:$0x3980] =	vst v63  }
0x144: {  	s20 =	sadd.s32 $0x100, s18  }
0x145: {  	[spmem:s2] =	stream.indirect.scatter.add.f32 [tilespmem:s12], [sflag:$0x1], $0x1, s20, s11, $0xb8;
	[tilespmem:$0x3980] =	vst v63  }
0x146: {  	s21 =	sadd.s32 $0x180, s18  }
0x147: {  	[spmem:s2] =	stream.indirect.scatter.add.f32 [tilespmem:s12], [sflag:$0x1], $0x1, s21, s11, $0xb8;
	[tilespmem:$0x3980] =	vst v63  }
0x148: {  	s22 =	sadd.s32 $0x200, s18  }
0x149: {  	[spmem:s2] =	stream.indirect.scatter.add.f32 [tilespmem:s12], [sflag:$0x1], $0x1, s22, s11, $0xb8;
	[tilespmem:$0x3980] =	vst v63  }
0x14a: {  	s23 =	sadd.s32 $0x280, s18  }
0x14b: {  	[spmem:s2] =	stream.indirect.scatter.add.f32 [tilespmem:s12], [sflag:$0x1], $0x1, s23, s11, $0xb8;
	[tilespmem:$0x3980] =	vst v63  }
0x14c: {  	s24 =	sadd.s32 $0x300, s18  }
0x14d: {  	[spmem:s2] =	stream.indirect.scatter.add.f32 [tilespmem:s12], [sflag:$0x1], $0x1, s24, s11, $0xb8;
	[tilespmem:$0x3980] =	vst v63  }
0x14e: {  	s25 =	sadd.s32 $0x380, s18  }
0x14f: {  	[spmem:s2] =	stream.indirect.scatter.add.f32 [tilespmem:s12], [sflag:$0x1], $0x1, s25, s11, $0xb8;
	[tilespmem:$0x3980] =	vst v63  }
0x150: {  	s26 =	sadd.s32 $0x400, s18  }
0x151: {  	[spmem:s2] =	stream.indirect.scatter.add.f32 [tilespmem:s12], [sflag:$0x1], $0x1, s26, s11, $0xb8;
	[tilespmem:$0x3980] =	vst v63  }
0x152: {  	s28 =	sadd.s32 $0x480, s18  }
0x153: {  	[spmem:s2] =	stream.indirect.scatter.add.f32 [tilespmem:s12], [sflag:$0x1], $0x1, s28, s11, $0xb8;
	[tilespmem:$0x3980] =	vst v63  }
0x154: {  	s29 =	sadd.s32 $0x500, s18  }
0x155: {  	[spmem:s2] =	stream.indirect.scatter.add.f32 [tilespmem:s12], [sflag:$0x1], $0x1, s29, s11, $0xb8;
	[tilespmem:$0x3980] =	vst v63  }
0x156: {  	s30 =	sadd.s32 $0x580, s18  }
0x157: {  	[spmem:s2] =	stream.indirect.scatter.add.f32 [tilespmem:s12], [sflag:$0x1], $0x1, s30, s11, $0xb8;
	[tilespmem:$0x3980] =	vst v63  }
0x158: {  	s31 =	sadd.s32 $0x600, s18  }
0x159: {  	[spmem:s2] =	stream.indirect.scatter.add.f32 [tilespmem:s12], [sflag:$0x1], $0x1, s31, s11, $0xb8;
	[tilespmem:$0x3980] =	vst v63  }
0x15a: {  	s20 =	sadd.s32 $0x680, s18  }
0x15b: {  	[spmem:s2] =	stream.indirect.scatter.add.f32 [tilespmem:s12], [sflag:$0x1], $0x1, s20, s11, $0xb8;
	[tilespmem:$0x3980] =	vst v63  }
0x15c: {  	s21 =	sadd.s32 $0x700, s18  }
0x15d: {  	[spmem:s2] =	stream.indirect.scatter.add.f32 [tilespmem:s12], [sflag:$0x1], $0x1, s21, s11, $0xb8;
	[tilespmem:$0x3980] =	vst v63  }
0x15e: {  	s22 =	sadd.s32 $0x780, s18  }
0x15f: {  	[spmem:s2] =	stream.indirect.scatter.add.f32 [tilespmem:s12], [sflag:$0x1], $0x1, s22, s11, $0xb8;
	[tilespmem:$0x3980] =	vst v63  }
0x160: {  	s23 =	sadd.s32 $0x800, s18  }
0x161: {  	[spmem:s2] =	stream.indirect.scatter.add.f32 [tilespmem:s12], [sflag:$0x1], $0x1, s23, s11, $0xb8;
	[tilespmem:$0x3980] =	vst v63  }
0x162: {  	s24 =	sadd.s32 $0x880, s18  }
0x163: {  	[spmem:s2] =	stream.indirect.scatter.add.f32 [tilespmem:s12], [sflag:$0x1], $0x1, s24, s11, $0xb8;
	[tilespmem:$0x3980] =	vst v63  }
0x164: {  	s25 =	sadd.s32 $0x900, s18  }
0x165: {  	[spmem:s2] =	stream.indirect.scatter.add.f32 [tilespmem:s12], [sflag:$0x1], $0x1, s25, s11, $0xb8;
	[tilespmem:$0x3980] =	vst v63  }
0x166: {  	s26 =	sadd.s32 $0x980, s18  }
0x167: {  	[spmem:s2] =	stream.indirect.scatter.add.f32 [tilespmem:s12], [sflag:$0x1], $0x1, s26, s11, $0xb8;
	[tilespmem:$0x3980] =	vst v63  }
0x168: {  	s28 =	sadd.s32 $0xA00, s18  }
0x169: {  	[spmem:s2] =	stream.indirect.scatter.add.f32 [tilespmem:s12], [sflag:$0x1], $0x1, s28, s11, $0xb8;
	[tilespmem:$0x3980] =	vst v63  }
0x16a: {  	s29 =	sadd.s32 $0xA80, s18  }
0x16b: {  	[spmem:s2] =	stream.indirect.scatter.add.f32 [tilespmem:s12], [sflag:$0x1], $0x1, s29, s11, $0xb8;
	[tilespmem:$0x3980] =	vst v63  }
0x16c: {  	s30 =	sadd.s32 $0xB00, s18  }
0x16d: {  	[spmem:s2] =	stream.indirect.scatter.add.f32 [tilespmem:s12], [sflag:$0x1], $0x1, s30, s11, $0xb8;
	[tilespmem:$0x3980] =	vst v63  }
0x16e: {  	s31 =	sadd.s32 $0xB80, s18  }
0x16f: {  	[spmem:s2] =	stream.indirect.scatter.add.f32 [tilespmem:s12], [sflag:$0x1], $0x1, s31, s11, $0xb8;
	[tilespmem:$0x3980] =	vst v63  }
0x170: {  	s18 =	sadd.s32 $0xC00, s18  }
0x171: {  	[spmem:s2] =	stream.indirect.scatter.add.f32 [tilespmem:s12], [sflag:$0x1], $0x1, s18, s11, $0xb8;
	[tilespmem:$0x3980] =	vst v63  }
0x172: {  	_ =	swait.ge [sflag:s10], $0x64  }
0x173: {  	[sflag:s10] =	ssyncset.done $0x0  }
0x174: {  	[sflag:s10] =	ssyncadd.s32 $0xFFFFFF9C  }
0x175: {  	_ =	swait.ge [sflag:s10], $0x64  }
0x176: {  	[sflag:s10] =	ssyncset.done $0x0  }
0x177: {  	[sflag:s10] =	ssyncadd.s32 $0xFFFFFF9C  }
0x178: {  	_ =	swait.ge [sflag:s10], $0x64  }
0x179: {  	[sflag:s10] =	ssyncset.done $0x0  }
0x17a: {  	[sflag:s10] =	ssyncadd.s32 $0xFFFFFF9C  }
0x17b: {  	_ =	swait.ge [sflag:s10], $0x64  }
0x17c: {  	[sflag:s10] =	ssyncset.done $0x0  }
0x17d: {  	[sflag:s10] =	ssyncadd.s32 $0xFFFFFF9C  }
0x17e: {  	_ =	swait.ge [sflag:s10], $0x64  }
0x17f: {  	[sflag:s10] =	ssyncset.done $0x0  }
0x180: {  	[sflag:s10] =	ssyncadd.s32 $0xFFFFFF9C  }
0x181: {  	_ =	swait.ge [sflag:s10], $0x64  }
0x182: {  	[sflag:s10] =	ssyncset.done $0x0  }
0x183: {  	[sflag:s10] =	ssyncadd.s32 $0xFFFFFF9C  }
0x184: {  	_ =	swait.ge [sflag:s10], $0x64  }
0x185: {  	[sflag:s10] =	ssyncset.done $0x0  }
0x186: {  	[sflag:s10] =	ssyncadd.s32 $0xFFFFFF9C  }
0x187: {  	_ =	swait.ge [sflag:s10], $0x64  }
0x188: {  	[sflag:s10] =	ssyncset.done $0x0  }
0x189: {  	[sflag:s10] =	ssyncadd.s32 $0xFFFFFF9C  }
0x18a: {  	_ =	swait.ge [sflag:s10], $0x64  }
0x18b: {  	[sflag:s10] =	ssyncset.done $0x0  }
0x18c: {  	[sflag:s10] =	ssyncadd.s32 $0xFFFFFF9C  }
0x18d: {  	_ =	swait.ge [sflag:s10], $0x64  }
0x18e: {  	[sflag:s10] =	ssyncset.done $0x0  }
0x18f: {  	[sflag:s10] =	ssyncadd.s32 $0xFFFFFF9C  }
0x190: {  	_ =	swait.ge [sflag:s10], $0x64  }
0x191: {  	[sflag:s10] =	ssyncset.done $0x0  }
0x192: {  	[sflag:s10] =	ssyncadd.s32 $0xFFFFFF9C  }
0x193: {  	_ =	swait.ge [sflag:s10], $0x64  }
0x194: {  	[sflag:s10] =	ssyncset.done $0x0  }
0x195: {  	[sflag:s10] =	ssyncadd.s32 $0xFFFFFF9C  }
0x196: {  	_ =	swait.ge [sflag:s10], $0x64  }
0x197: {  	[sflag:s10] =	ssyncset.done $0x0  }
0x198: {  	[sflag:s10] =	ssyncadd.s32 $0xFFFFFF9C  }
0x199: {  	_ =	swait.ge [sflag:s10], $0x64  }
0x19a: {  	[sflag:s10] =	ssyncset.done $0x0  }
0x19b: {  	[sflag:s10] =	ssyncadd.s32 $0xFFFFFF9C  }
0x19c: {  	_ =	swait.ge [sflag:s10], $0x64  }
0x19d: {  	[sflag:s10] =	ssyncset.done $0x0  }
0x19e: {  	[sflag:s10] =	ssyncadd.s32 $0xFFFFFF9C  }
0x19f: {  	_ =	swait.ge [sflag:s10], $0x64  }
0x1a0: {  	[sflag:s10] =	ssyncset.done $0x0  }
0x1a1: {  	[sflag:s10] =	ssyncadd.s32 $0xFFFFFF9C  }
0x1a2: {  	_ =	swait.ge [sflag:s10], $0x64  }
0x1a3: {  	[sflag:s10] =	ssyncset.done $0x0  }
0x1a4: {  	[sflag:s10] =	ssyncadd.s32 $0xFFFFFF9C  }
0x1a5: {  	_ =	swait.ge [sflag:s10], $0x64  }
0x1a6: {  	[sflag:s10] =	ssyncset.done $0x0  }
0x1a7: {  	[sflag:s10] =	ssyncadd.s32 $0xFFFFFF9C  }
0x1a8: {  	_ =	swait.ge [sflag:s10], $0x64  }
0x1a9: {  	[sflag:s10] =	ssyncset.done $0x0  }
0x1aa: {  	[sflag:s10] =	ssyncadd.s32 $0xFFFFFF9C  }
0x1ab: {  	_ =	swait.ge [sflag:s10], $0x64  }
0x1ac: {  	[sflag:s10] =	ssyncset.done $0x0  }
0x1ad: {  	[sflag:s10] =	ssyncadd.s32 $0xFFFFFF9C  }
0x1ae: {  	_ =	swait.ge [sflag:s10], $0x64  }
0x1af: {  	[sflag:s10] =	ssyncset.done $0x0  }
0x1b0: {  	[sflag:s10] =	ssyncadd.s32 $0xFFFFFF9C  }
0x1b1: {  	_ =	swait.ge [sflag:s10], $0x64  }
0x1b2: {  	[sflag:s10] =	ssyncset.done $0x0  }
0x1b3: {  	[sflag:s10] =	ssyncadd.s32 $0xFFFFFF9C  }
0x1b4: {  	_ =	swait.ge [sflag:s10], $0x64  }
0x1b5: {  	[sflag:s10] =	ssyncset.done $0x0  }
0x1b6: {  	[sflag:s10] =	ssyncadd.s32 $0xFFFFFF9C  }
0x1b7: {  	_ =	swait.ge [sflag:s10], $0x64  }
0x1b8: {  	[sflag:s10] =	ssyncset.done $0x0  }
0x1b9: {  	[sflag:s10] =	ssyncadd.s32 $0xFFFFFF9C  }
0x1ba: {  	_ =	swait.ge [sflag:s10], $0x64  }
0x1bb: {  	s17 =	sadd.s32 $0x1, s17;
	[sflag:s10] =	ssyncset.done $0x0  }
0x1bc: {  	p0 =	sne.s32 s17, s7;
	[sflag:s10] =	ssyncadd.s32 $0xFFFFFF9C  }
.Ltmp1:
0x1bd: {  	[bflag:$0x0] =	sbarrier.arrive $0xFFFF;
	(pc) =	sbr.rel @p0 .LBB2_1-.Ltmp1, $4  }
0x1be: {  	[hbm:s6@s15], [sflag:s13] =	dma.strided [spmem:s14@s16], $0x50, s10, $0x10   }
0x1bf: {  	_ =	swait.ge [sflag:s9], $0x50  }
0x1c0: {  	[sflag:s9] =	ssyncset.done $0x0  }
0x1c1: {  	[sflag:s9] =	ssyncadd.s32 $0xFFFFFFB0  }
0x1c2: {  	_ =	sfence.sel $0x180000  }
0x1c3: {  	[bflag:$0x0] =	sbarrier.arrive $0xFFFF  }
0x1c4: {  	p0 =	sne.s32 s1, $0x0;
	_ =	strace $0x90000047  }
0x1c5: {  	s0 =	sadd.s32 @!p0 $0x100000, s0;
	[bflag:$0x2] =	sbarrier.arrive $0xFFFF  }
0x1c6: {  	[sflag:s0] =	ssyncadd.tile.s32 @!p0 $0x1;
	_ =	shalt  }
.Lfunc_end2:
_tile_overlayer_lowered:
.L_overlay_start_2:
0x1c7: {  	(tag) =	ssettag $0x2  }
0x1c8: {  	s0 =	rddreg [dreg:$0x0];
	s2 =	stileid.u32  }
0x1c9: {  	s1 =	rddreg [dreg:$0x1];
	p0 =	sne.s32 s2, $0x0  }
0x1ca: {  	s3 =	rddreg [dreg:$0x2];
	[bflag:$0x3] =	sbarrier.arrive $0xFFFF;
	s2 =	simm.s32 @!p0 $0x1C02  }
0x1cb: {  	[timem:s3], [sflag:s2] =	dma.local @!p0 [hbm:s0], s1  }
0x1cc: {  	s0 =	simm.s32 @!p0 $0x2  }
0x1cd: {  	_ =	swait.ge @!p0 [sflag:s0], s1  }
0x1ce: {  	s1 =	ssub.s32 @!p0 $0x0, s1;
	[sflag:s0] =	ssyncset.done @!p0 $0x0  }
0x1cf: {  	[sflag:s0] =	ssyncadd.s32 @!p0 s1  }
0x1d0: {  	[bflag:$0x3] =	sbarrier.arrive $0xFFFF  }
0x1d1: {  	_ =	shalt  }

</sc_bundles>
